<compile_context>
chip_gen: v7x
topology: tpu7x:2x2x1
jax: 0.10.2.dev20260603
libtpu: 0.0.44.dev20260713+nightly
codegen_flags: <defaults>
</compile_context>

<pallas_src>
import functools

import jax
import jax.numpy as jnp
from jax import lax
from jax.experimental import pallas as pl
from jax.experimental.pallas import tpu as pltpu, tpu_sc as plsc

NUM_ROWS = 100000
DIM = 128
BATCH = 4096
HIST = 50
TOTAL = BATCH * HIST

_INFO = plsc.get_sparse_core_info()
_NC, _NS = _INFO.num_cores, _INFO.num_subcores
_NW = _NC * _NS
_B_PER_W = TOTAL // _NW
_CHUNK = 480
_NBUF = 2
_CSIZES = [_CHUNK] * (_B_PER_W // _CHUNK) + (
    [_B_PER_W % _CHUNK] if _B_PER_W % _CHUNK else [])
_COFFS = [sum(_CSIZES[:g]) for g in range(len(_CSIZES))]
_NCHUNKS = len(_CSIZES)


def _make_gather():
    mesh = plsc.VectorSubcoreMesh(core_axis_name="c", subcore_axis_name="s")

    @functools.partial(
        pl.kernel,
        out_type=jax.ShapeDtypeStruct((TOTAL, DIM), jnp.float32),
        mesh=mesh,
        scratch_types=[
            [pltpu.VMEM((_CHUNK,), jnp.int32) for _ in range(_NBUF)],
            [pltpu.VMEM((_CHUNK, DIM), jnp.float32) for _ in range(_NBUF)],
            [pltpu.SemaphoreType.DMA for _ in range(_NBUF)],
            [pltpu.SemaphoreType.DMA for _ in range(_NBUF)],
        ],
    )
    def gather_kernel(idx_hbm, table_hbm, out_hbm,
                      idx_v, rows_v, gsem, wsem):
        wid = lax.axis_index("s") * _NC + lax.axis_index("c")
        base = wid * _B_PER_W

        def start_gather(g):
            b = g % _NBUF
            n = _CSIZES[g]
            pltpu.sync_copy(idx_hbm.at[pl.ds(base + _COFFS[g], n)],
                            idx_v[b].at[pl.ds(0, n)])
            return pltpu.async_copy(
                table_hbm.at[idx_v[b].at[pl.ds(0, n)]],
                rows_v[b].at[pl.ds(0, n)], gsem[b])

        def start_write(g):
            b = g % _NBUF
            n = _CSIZES[g]
            return pltpu.async_copy(rows_v[b].at[pl.ds(0, n)],
                                    out_hbm.at[pl.ds(base + _COFFS[g], n)],
                                    wsem[b])

        gathers = [None] * _NCHUNKS
        writes = [None] * _NCHUNKS
        waited = [False] * _NCHUNKS
        for g in range(_NCHUNKS):
            if g >= _NBUF:
                writes[g - _NBUF].wait()
                waited[g - _NBUF] = True
            gathers[g] = start_gather(g)
            if g >= 1:
                gathers[g - 1].wait()
                writes[g - 1] = start_write(g - 1)
        gathers[_NCHUNKS - 1].wait()
        writes[_NCHUNKS - 1] = start_write(_NCHUNKS - 1)
        for g in range(_NCHUNKS):
            if not waited[g]:
                writes[g].wait()

    return gather_kernel


_gather = _make_gather()


@jax.jit
def kernel(input, table):
    flat_idx = input.astype(jnp.int32).T.reshape(-1)
    out = _gather(flat_idx, table)
    return out.reshape(HIST, BATCH, DIM).transpose(1, 0, 2)

# --- scband reference (transcript-rebuilt; emitter-appended) ---
"""Pipeline reference for scband-custom-embedding-69776038691514 (READ-ONLY COPY).

The authoritative reference and input builder live on the scoring server;
editing this copy changes nothing except your own understanding.
"""

import jax, jax.numpy as jnp
import numpy as np

NUM_EMBEDDINGS = 100000
EMBEDDING_DIM = 128
BATCH = 4096
HIST = 50

def setup_inputs(seed: int = 0) -> dict:
    key = jax.random.key(seed)
    k_idx, k_tab = jax.random.split(key)
    indices = jax.random.randint(k_idx, (BATCH, HIST), 0, NUM_EMBEDDINGS, dtype=jnp.int64 if jax.config.jax_enable_x64 else jnp.int32)
    table = jax.random.normal(k_tab, (NUM_EMBEDDINGS, EMBEDDING_DIM), dtype=jnp.float32)
    return {"input": indices, "table": table}

def reference(input, table):
    # CustomEmbedding.forward: nn.Embedding lookup (spectral_norm=False)
    return jnp.take(table, input, axis=0)

if __name__ == "__main__":
    import jax
    _d = setup_inputs()
    print(jax.jit(kernel)(*tuple(_d.values())))

</pallas_src>

<mosaic_0001>
#map = affine_map<(d0, d1) -> (0)>
#map1 = affine_map<(d0, d1) -> (0, 0)>
module attributes {stable_mosaic.version = 14 : i64} {
  func.func @gather_kernel(%arg0: i32, %arg1: i32, %arg2: memref<204800xi32, #tpu.memory_space<hbm>>, %arg3: memref<100000x128xf32, #tpu.memory_space<hbm>>, %arg4: memref<204800x128xf32, #tpu.memory_space<hbm>>, %arg5: memref<480xi32, #tpu.memory_space<vmem>>, %arg6: memref<480xi32, #tpu.memory_space<vmem>>, %arg7: memref<480x128xf32, #tpu.memory_space<vmem>>, %arg8: memref<480x128xf32, #tpu.memory_space<vmem>>, %arg9: memref<!tpu.dma_semaphore, #tpu.memory_space<semaphore_mem>>, %arg10: memref<!tpu.dma_semaphore, #tpu.memory_space<semaphore_mem>>, %arg11: memref<!tpu.dma_semaphore, #tpu.memory_space<semaphore_mem>>, %arg12: memref<!tpu.dma_semaphore, #tpu.memory_space<semaphore_mem>>) attributes {dimension_semantics = [#tpu.dimension_semantics<core_parallel>, #tpu.dimension_semantics<subcore_parallel>], iteration_bounds = array<i64: 2, 16>, scalar_prefetch = 0 : i64, scratch_operands = 8 : i64, tpu.core_type = #tpu.core_type<sc_vector_subcore>, window_params = [{transform_indices = #map}, {transform_indices = #map1}, {transform_indices = #map1}]} {
    %mul3A = arith.constant 2 : i32
    %mul3A_0 = arith.muli %arg1, %mul3A : i32
    %add3A = arith.addi %mul3A_0, %arg0 : i32
    %mul3A_1 = arith.constant 6400 : i32
    %mul3A_2 = arith.muli %add3A, %mul3A_1 : i32
    %add3A_3 = arith.constant 0 : i32
    %add3A_4 = arith.addi %mul3A_2, %add3A_3 : i32
    "tpu.region"() ({
      %run_scoped3A = tpu.sem_alloc : memref<!tpu.dma_semaphore, #tpu.memory_space<semaphore_mem>>
      %dma_start3A_561 = arith.constant 0 : i32
      %dma_start3A_562 = tpu.memref_slice %arg5[%dma_start3A_561] : memref<480xi32, #tpu.memory_space<vmem>> -> memref<480xi32, #tpu.memory_space<vmem>>
      %dma_start3A_563 = tpu.memref_slice %arg2[%add3A_4] : memref<204800xi32, #tpu.memory_space<hbm>> -> memref<480xi32, #tpu.memory_space<hbm>>
      %dma_start3A_564 = arith.constant 0 : i32
      %dma_start3A_565 = tpu.memref_slice %arg5[%dma_start3A_564] : memref<480xi32, #tpu.memory_space<vmem>> -> memref<480xi32, #tpu.memory_space<vmem>>
      %dma_start3A_566 = tpu.memref_slice %arg2[%add3A_4] : memref<204800xi32, #tpu.memory_space<hbm>> -> memref<480xi32, #tpu.memory_space<hbm>>
      tpu.enqueue_dma source(%dma_start3A_566 : memref<480xi32, #tpu.memory_space<hbm>>) target(%dma_start3A_565 : memref<480xi32, #tpu.memory_space<vmem>>) target_semaphore(%run_scoped3A : memref<!tpu.dma_semaphore, #tpu.memory_space<semaphore_mem>>)
      %dma_wait3A_567 = arith.constant 0 : i32
      %dma_wait3A_568 = tpu.memref_slice %arg5[%dma_wait3A_567] : memref<480xi32, #tpu.memory_space<vmem>> -> memref<480xi32, #tpu.memory_space<vmem>>
      %dma_wait3A_569 = tpu.memref_slice %arg2[%add3A_4] : memref<204800xi32, #tpu.memory_space<hbm>> -> memref<480xi32, #tpu.memory_space<hbm>>
      %dma_wait3A_570 = arith.constant 0 : i32
      %dma_wait3A_571 = tpu.memref_slice %arg5[%dma_wait3A_570] : memref<480xi32, #tpu.memory_space<vmem>> -> memref<480xi32, #tpu.memory_space<vmem>>
      %dma_wait3A_572 = tpu.memref_slice %arg2[%add3A_4] : memref<204800xi32, #tpu.memory_space<hbm>> -> memref<480xi32, #tpu.memory_space<hbm>>
      tpu.wait_dma2 semaphore(%run_scoped3A : memref<!tpu.dma_semaphore, #tpu.memory_space<semaphore_mem>>) src(%dma_wait3A_572 : memref<480xi32, #tpu.memory_space<hbm>>) dst(%dma_wait3A_571 : memref<480xi32, #tpu.memory_space<vmem>>)
      tpu.yield
    }) : () -> ()
    %dma_start3A = arith.constant 0 : i32
    %dma_start3A_5 = arith.constant 0 : i32
    %dma_start3A_6 = tpu.memref_slice %arg7[%dma_start3A, %dma_start3A_5] : memref<480x128xf32, #tpu.memory_space<vmem>> -> memref<480x128xf32, #tpu.memory_space<vmem>>
    %dma_start3A_7 = arith.constant 0 : i32
    %dma_start3A_8 = tpu.memref_slice %arg5[%dma_start3A_7] : memref<480xi32, #tpu.memory_space<vmem>> -> memref<480xi32, #tpu.memory_space<vmem>>
    %dma_start3A_9 = arith.constant 0 : i32
    %dma_start3A_10 = arith.constant 0 : i32
    %dma_start3A_11 = tpu.memref_slice %arg3[%dma_start3A_9, %dma_start3A_10] : memref<100000x128xf32, #tpu.memory_space<hbm>> -> memref<100000x128xf32, #tpu.memory_space<hbm>>
    tpu.enqueue_indirect_dma source(%dma_start3A_11 : memref<100000x128xf32, #tpu.memory_space<hbm>>) target(%dma_start3A_6 : memref<480x128xf32, #tpu.memory_space<vmem>>) offsets(%dma_start3A_8 : memref<480xi32, #tpu.memory_space<vmem>>) semaphore(%arg9 : memref<!tpu.dma_semaphore, #tpu.memory_space<semaphore_mem>>)
    %add3A_12 = arith.constant 480 : i32
    %add3A_13 = arith.addi %mul3A_2, %add3A_12 : i32
    "tpu.region"() ({
      %run_scoped3A = tpu.sem_alloc : memref<!tpu.dma_semaphore, #tpu.memory_space<semaphore_mem>>
      %dma_start3A_561 = arith.constant 0 : i32
      %dma_start3A_562 = tpu.memref_slice %arg6[%dma_start3A_561] : memref<480xi32, #tpu.memory_space<vmem>> -> memref<480xi32, #tpu.memory_space<vmem>>
      %dma_start3A_563 = tpu.memref_slice %arg2[%add3A_13] : memref<204800xi32, #tpu.memory_space<hbm>> -> memref<480xi32, #tpu.memory_space<hbm>>
      %dma_start3A_564 = arith.constant 0 : i32
      %dma_start3A_565 = tpu.memref_slice %arg6[%dma_start3A_564] : memref<480xi32, #tpu.memory_space<vmem>> -> memref<480xi32, #tpu.memory_space<vmem>>
      %dma_start3A_566 = tpu.memref_slice %arg2[%add3A_13] : memref<204800xi32, #tpu.memory_space<hbm>> -> memref<480xi32, #tpu.memory_space<hbm>>
      tpu.enqueue_dma source(%dma_start3A_566 : memref<480xi32, #tpu.memory_space<hbm>>) target(%dma_start3A_565 : memref<480xi32, #tpu.memory_space<vmem>>) target_semaphore(%run_scoped3A : memref<!tpu.dma_semaphore, #tpu.memory_space<semaphore_mem>>)
      %dma_wait3A_567 = arith.constant 0 : i32
      %dma_wait3A_568 = tpu.memref_slice %arg6[%dma_wait3A_567] : memref<480xi32, #tpu.memory_space<vmem>> -> memref<480xi32, #tpu.memory_space<vmem>>
      %dma_wait3A_569 = tpu.memref_slice %arg2[%add3A_13] : memref<204800xi32, #tpu.memory_space<hbm>> -> memref<480xi32, #tpu.memory_space<hbm>>
      %dma_wait3A_570 = arith.constant 0 : i32
      %dma_wait3A_571 = tpu.memref_slice %arg6[%dma_wait3A_570] : memref<480xi32, #tpu.memory_space<vmem>> -> memref<480xi32, #tpu.memory_space<vmem>>
      %dma_wait3A_572 = tpu.memref_slice %arg2[%add3A_13] : memref<204800xi32, #tpu.memory_space<hbm>> -> memref<480xi32, #tpu.memory_space<hbm>>
      tpu.wait_dma2 semaphore(%run_scoped3A : memref<!tpu.dma_semaphore, #tpu.memory_space<semaphore_mem>>) src(%dma_wait3A_572 : memref<480xi32, #tpu.memory_space<hbm>>) dst(%dma_wait3A_571 : memref<480xi32, #tpu.memory_space<vmem>>)
      tpu.yield
    }) : () -> ()
    %dma_start3A_14 = arith.constant 0 : i32
    %dma_start3A_15 = arith.constant 0 : i32
    %dma_start3A_16 = tpu.memref_slice %arg8[%dma_start3A_14, %dma_start3A_15] : memref<480x128xf32, #tpu.memory_space<vmem>> -> memref<480x128xf32, #tpu.memory_space<vmem>>
    %dma_start3A_17 = arith.constant 0 : i32
    %dma_start3A_18 = tpu.memref_slice %arg6[%dma_start3A_17] : memref<480xi32, #tpu.memory_space<vmem>> -> memref<480xi32, #tpu.memory_space<vmem>>
    %dma_start3A_19 = arith.constant 0 : i32
    %dma_start3A_20 = arith.constant 0 : i32
    %dma_start3A_21 = tpu.memref_slice %arg3[%dma_start3A_19, %dma_start3A_20] : memref<100000x128xf32, #tpu.memory_space<hbm>> -> memref<100000x128xf32, #tpu.memory_space<hbm>>
    tpu.enqueue_indirect_dma source(%dma_start3A_21 : memref<100000x128xf32, #tpu.memory_space<hbm>>) target(%dma_start3A_16 : memref<480x128xf32, #tpu.memory_space<vmem>>) offsets(%dma_start3A_18 : memref<480xi32, #tpu.memory_space<vmem>>) semaphore(%arg10 : memref<!tpu.dma_semaphore, #tpu.memory_space<semaphore_mem>>)
    %dma_wait3A = arith.constant 0 : i32
    %dma_wait3A_22 = arith.constant 0 : i32
    %dma_wait3A_23 = tpu.memref_slice %arg7[%dma_wait3A, %dma_wait3A_22] : memref<480x128xf32, #tpu.memory_space<vmem>> -> memref<480x128xf32, #tpu.memory_space<vmem>>
    %dma_wait3A_24 = arith.constant 0 : i32
    %dma_wait3A_25 = tpu.memref_slice %arg5[%dma_wait3A_24] : memref<480xi32, #tpu.memory_space<vmem>> -> memref<480xi32, #tpu.memory_space<vmem>>
    %dma_wait3A_26 = arith.constant 0 : i32
    %dma_wait3A_27 = arith.constant 0 : i32
    %dma_wait3A_28 = tpu.memref_slice %arg3[%dma_wait3A_26, %dma_wait3A_27] : memref<100000x128xf32, #tpu.memory_space<hbm>> -> memref<100000x128xf32, #tpu.memory_space<hbm>>
    tpu.wait_indirect_dma semaphore(%arg9 : memref<!tpu.dma_semaphore, #tpu.memory_space<semaphore_mem>>) src(%dma_wait3A_28 : memref<100000x128xf32, #tpu.memory_space<hbm>>) dst(%dma_wait3A_23 : memref<480x128xf32, #tpu.memory_space<vmem>>)
    %add3A_29 = arith.constant 0 : i32
    %add3A_30 = arith.addi %mul3A_2, %add3A_29 : i32
    %dma_start3A_31 = arith.constant 0 : i32
    %dma_start3A_32 = arith.constant 0 : i32
    %dma_start3A_33 = tpu.memref_slice %arg7[%dma_start3A_31, %dma_start3A_32] : memref<480x128xf32, #tpu.memory_space<vmem>> -> memref<480x128xf32, #tpu.memory_space<vmem>>
    %dma_start3A_34 = arith.constant 0 : i32
    %dma_start3A_35 = tpu.memref_slice %arg4[%add3A_30, %dma_start3A_34] : memref<204800x128xf32, #tpu.memory_space<hbm>> -> memref<480x128xf32, #tpu.memory_space<hbm>>
    %dma_start3A_36 = arith.constant 0 : i32
    %dma_start3A_37 = tpu.memref_slice %arg4[%add3A_30, %dma_start3A_36] : memref<204800x128xf32, #tpu.memory_space<hbm>> -> memref<480x128xf32, #tpu.memory_space<hbm>>
    %dma_start3A_38 = arith.constant 0 : i32
    %dma_start3A_39 = arith.constant 0 : i32
    %dma_start3A_40 = tpu.memref_slice %arg7[%dma_start3A_38, %dma_start3A_39] : memref<480x128xf32, #tpu.memory_space<vmem>> -> memref<480x128xf32, #tpu.memory_space<vmem>>
    tpu.enqueue_dma source(%dma_start3A_40 : memref<480x128xf32, #tpu.memory_space<vmem>>) target(%dma_start3A_37 : memref<480x128xf32, #tpu.memory_space<hbm>>) target_semaphore(%arg11 : memref<!tpu.dma_semaphore, #tpu.memory_space<semaphore_mem>>)
    %dma_wait3A_41 = arith.constant 0 : i32
    %dma_wait3A_42 = arith.constant 0 : i32
    %dma_wait3A_43 = tpu.memref_slice %arg7[%dma_wait3A_41, %dma_wait3A_42] : memref<480x128xf32, #tpu.memory_space<vmem>> -> memref<480x128xf32, #tpu.memory_space<vmem>>
    %dma_wait3A_44 = arith.constant 0 : i32
    %dma_wait3A_45 = tpu.memref_slice %arg4[%add3A_30, %dma_wait3A_44] : memref<204800x128xf32, #tpu.memory_space<hbm>> -> memref<480x128xf32, #tpu.memory_space<hbm>>
    %dma_wait3A_46 = arith.constant 0 : i32
    %dma_wait3A_47 = tpu.memref_slice %arg4[%add3A_30, %dma_wait3A_46] : memref<204800x128xf32, #tpu.memory_space<hbm>> -> memref<480x128xf32, #tpu.memory_space<hbm>>
    %dma_wait3A_48 = arith.constant 0 : i32
    %dma_wait3A_49 = arith.constant 0 : i32
    %dma_wait3A_50 = tpu.memref_slice %arg7[%dma_wait3A_48, %dma_wait3A_49] : memref<480x128xf32, #tpu.memory_space<vmem>> -> memref<480x128xf32, #tpu.memory_space<vmem>>
    tpu.wait_dma2 semaphore(%arg11 : memref<!tpu.dma_semaphore, #tpu.memory_space<semaphore_mem>>) src(%dma_wait3A_50 : memref<480x128xf32, #tpu.memory_space<vmem>>) dst(%dma_wait3A_47 : memref<480x128xf32, #tpu.memory_space<hbm>>)
    %add3A_51 = arith.constant 960 : i32
    %add3A_52 = arith.addi %mul3A_2, %add3A_51 : i32
    "tpu.region"() ({
      %run_scoped3A = tpu.sem_alloc : memref<!tpu.dma_semaphore, #tpu.memory_space<semaphore_mem>>
      %dma_start3A_561 = arith.constant 0 : i32
      %dma_start3A_562 = tpu.memref_slice %arg5[%dma_start3A_561] : memref<480xi32, #tpu.memory_space<vmem>> -> memref<480xi32, #tpu.memory_space<vmem>>
      %dma_start3A_563 = tpu.memref_slice %arg2[%add3A_52] : memref<204800xi32, #tpu.memory_space<hbm>> -> memref<480xi32, #tpu.memory_space<hbm>>
      %dma_start3A_564 = arith.constant 0 : i32
      %dma_start3A_565 = tpu.memref_slice %arg5[%dma_start3A_564] : memref<480xi32, #tpu.memory_space<vmem>> -> memref<480xi32, #tpu.memory_space<vmem>>
      %dma_start3A_566 = tpu.memref_slice %arg2[%add3A_52] : memref<204800xi32, #tpu.memory_space<hbm>> -> memref<480xi32, #tpu.memory_space<hbm>>
      tpu.enqueue_dma source(%dma_start3A_566 : memref<480xi32, #tpu.memory_space<hbm>>) target(%dma_start3A_565 : memref<480xi32, #tpu.memory_space<vmem>>) target_semaphore(%run_scoped3A : memref<!tpu.dma_semaphore, #tpu.memory_space<semaphore_mem>>)
      %dma_wait3A_567 = arith.constant 0 : i32
      %dma_wait3A_568 = tpu.memref_slice %arg5[%dma_wait3A_567] : memref<480xi32, #tpu.memory_space<vmem>> -> memref<480xi32, #tpu.memory_space<vmem>>
      %dma_wait3A_569 = tpu.memref_slice %arg2[%add3A_52] : memref<204800xi32, #tpu.memory_space<hbm>> -> memref<480xi32, #tpu.memory_space<hbm>>
      %dma_wait3A_570 = arith.constant 0 : i32
      %dma_wait3A_571 = tpu.memref_slice %arg5[%dma_wait3A_570] : memref<480xi32, #tpu.memory_space<vmem>> -> memref<480xi32, #tpu.memory_space<vmem>>
      %dma_wait3A_572 = tpu.memref_slice %arg2[%add3A_52] : memref<204800xi32, #tpu.memory_space<hbm>> -> memref<480xi32, #tpu.memory_space<hbm>>
      tpu.wait_dma2 semaphore(%run_scoped3A : memref<!tpu.dma_semaphore, #tpu.memory_space<semaphore_mem>>) src(%dma_wait3A_572 : memref<480xi32, #tpu.memory_space<hbm>>) dst(%dma_wait3A_571 : memref<480xi32, #tpu.memory_space<vmem>>)
      tpu.yield
    }) : () -> ()
    %dma_start3A_53 = arith.constant 0 : i32
    %dma_start3A_54 = arith.constant 0 : i32
    %dma_start3A_55 = tpu.memref_slice %arg7[%dma_start3A_53, %dma_start3A_54] : memref<480x128xf32, #tpu.memory_space<vmem>> -> memref<480x128xf32, #tpu.memory_space<vmem>>
    %dma_start3A_56 = arith.constant 0 : i32
    %dma_start3A_57 = tpu.memref_slice %arg5[%dma_start3A_56] : memref<480xi32, #tpu.memory_space<vmem>> -> memref<480xi32, #tpu.memory_space<vmem>>
    %dma_start3A_58 = arith.constant 0 : i32
    %dma_start3A_59 = arith.constant 0 : i32
    %dma_start3A_60 = tpu.memref_slice %arg3[%dma_start3A_58, %dma_start3A_59] : memref<100000x128xf32, #tpu.memory_space<hbm>> -> memref<100000x128xf32, #tpu.memory_space<hbm>>
    tpu.enqueue_indirect_dma source(%dma_start3A_60 : memref<100000x128xf32, #tpu.memory_space<hbm>>) target(%dma_start3A_55 : memref<480x128xf32, #tpu.memory_space<vmem>>) offsets(%dma_start3A_57 : memref<480xi32, #tpu.memory_space<vmem>>) semaphore(%arg9 : memref<!tpu.dma_semaphore, #tpu.memory_space<semaphore_mem>>)
    %dma_wait3A_61 = arith.constant 0 : i32
    %dma_wait3A_62 = arith.constant 0 : i32
    %dma_wait3A_63 = tpu.memref_slice %arg8[%dma_wait3A_61, %dma_wait3A_62] : memref<480x128xf32, #tpu.memory_space<vmem>> -> memref<480x128xf32, #tpu.memory_space<vmem>>
    %dma_wait3A_64 = arith.constant 0 : i32
    %dma_wait3A_65 = tpu.memref_slice %arg6[%dma_wait3A_64] : memref<480xi32, #tpu.memory_space<vmem>> -> memref<480xi32, #tpu.memory_space<vmem>>
    %dma_wait3A_66 = arith.constant 0 : i32
    %dma_wait3A_67 = arith.constant 0 : i32
    %dma_wait3A_68 = tpu.memref_slice %arg3[%dma_wait3A_66, %dma_wait3A_67] : memref<100000x128xf32, #tpu.memory_space<hbm>> -> memref<100000x128xf32, #tpu.memory_space<hbm>>
    tpu.wait_indirect_dma semaphore(%arg10 : memref<!tpu.dma_semaphore, #tpu.memory_space<semaphore_mem>>) src(%dma_wait3A_68 : memref<100000x128xf32, #tpu.memory_space<hbm>>) dst(%dma_wait3A_63 : memref<480x128xf32, #tpu.memory_space<vmem>>)
    %add3A_69 = arith.constant 480 : i32
    %add3A_70 = arith.addi %mul3A_2, %add3A_69 : i32
    %dma_start3A_71 = arith.constant 0 : i32
    %dma_start3A_72 = arith.constant 0 : i32
    %dma_start3A_73 = tpu.memref_slice %arg8[%dma_start3A_71, %dma_start3A_72] : memref<480x128xf32, #tpu.memory_space<vmem>> -> memref<480x128xf32, #tpu.memory_space<vmem>>
    %dma_start3A_74 = arith.constant 0 : i32
    %dma_start3A_75 = tpu.memref_slice %arg4[%add3A_70, %dma_start3A_74] : memref<204800x128xf32, #tpu.memory_space<hbm>> -> memref<480x128xf32, #tpu.memory_space<hbm>>
    %dma_start3A_76 = arith.constant 0 : i32
    %dma_start3A_77 = tpu.memref_slice %arg4[%add3A_70, %dma_start3A_76] : memref<204800x128xf32, #tpu.memory_space<hbm>> -> memref<480x128xf32, #tpu.memory_space<hbm>>
    %dma_start3A_78 = arith.constant 0 : i32
    %dma_start3A_79 = arith.constant 0 : i32
    %dma_start3A_80 = tpu.memref_slice %arg8[%dma_start3A_78, %dma_start3A_79] : memref<480x128xf32, #tpu.memory_space<vmem>> -> memref<480x128xf32, #tpu.memory_space<vmem>>
    tpu.enqueue_dma source(%dma_start3A_80 : memref<480x128xf32, #tpu.memory_space<vmem>>) target(%dma_start3A_77 : memref<480x128xf32, #tpu.memory_space<hbm>>) target_semaphore(%arg12 : memref<!tpu.dma_semaphore, #tpu.memory_space<semaphore_mem>>)
    %dma_wait3A_81 = arith.constant 0 : i32
    %dma_wait3A_82 = arith.constant 0 : i32
    %dma_wait3A_83 = tpu.memref_slice %arg8[%dma_wait3A_81, %dma_wait3A_82] : memref<480x128xf32, #tpu.memory_space<vmem>> -> memref<480x128xf32, #tpu.memory_space<vmem>>
    %dma_wait3A_84 = arith.constant 0 : i32
    %dma_wait3A_85 = tpu.memref_slice %arg4[%add3A_70, %dma_wait3A_84] : memref<204800x128xf32, #tpu.memory_space<hbm>> -> memref<480x128xf32, #tpu.memory_space<hbm>>
    %dma_wait3A_86 = arith.constant 0 : i32
    %dma_wait3A_87 = tpu.memref_slice %arg4[%add3A_70, %dma_wait3A_86] : memref<204800x128xf32, #tpu.memory_space<hbm>> -> memref<480x128xf32, #tpu.memory_space<hbm>>
    %dma_wait3A_88 = arith.constant 0 : i32
    %dma_wait3A_89 = arith.constant 0 : i32
    %dma_wait3A_90 = tpu.memref_slice %arg8[%dma_wait3A_88, %dma_wait3A_89] : memref<480x128xf32, #tpu.memory_space<vmem>> -> memref<480x128xf32, #tpu.memory_space<vmem>>
    tpu.wait_dma2 semaphore(%arg12 : memref<!tpu.dma_semaphore, #tpu.memory_space<semaphore_mem>>) src(%dma_wait3A_90 : memref<480x128xf32, #tpu.memory_space<vmem>>) dst(%dma_wait3A_87 : memref<480x128xf32, #tpu.memory_space<hbm>>)
    %add3A_91 = arith.constant 1440 : i32
    %add3A_92 = arith.addi %mul3A_2, %add3A_91 : i32
    "tpu.region"() ({
      %run_scoped3A = tpu.sem_alloc : memref<!tpu.dma_semaphore, #tpu.memory_space<semaphore_mem>>
      %dma_start3A_561 = arith.constant 0 : i32
      %dma_start3A_562 = tpu.memref_slice %arg6[%dma_start3A_561] : memref<480xi32, #tpu.memory_space<vmem>> -> memref<480xi32, #tpu.memory_space<vmem>>
      %dma_start3A_563 = tpu.memref_slice %arg2[%add3A_92] : memref<204800xi32, #tpu.memory_space<hbm>> -> memref<480xi32, #tpu.memory_space<hbm>>
      %dma_start3A_564 = arith.constant 0 : i32
      %dma_start3A_565 = tpu.memref_slice %arg6[%dma_start3A_564] : memref<480xi32, #tpu.memory_space<vmem>> -> memref<480xi32, #tpu.memory_space<vmem>>
      %dma_start3A_566 = tpu.memref_slice %arg2[%add3A_92] : memref<204800xi32, #tpu.memory_space<hbm>> -> memref<480xi32, #tpu.memory_space<hbm>>
      tpu.enqueue_dma source(%dma_start3A_566 : memref<480xi32, #tpu.memory_space<hbm>>) target(%dma_start3A_565 : memref<480xi32, #tpu.memory_space<vmem>>) target_semaphore(%run_scoped3A : memref<!tpu.dma_semaphore, #tpu.memory_space<semaphore_mem>>)
      %dma_wait3A_567 = arith.constant 0 : i32
      %dma_wait3A_568 = tpu.memref_slice %arg6[%dma_wait3A_567] : memref<480xi32, #tpu.memory_space<vmem>> -> memref<480xi32, #tpu.memory_space<vmem>>
      %dma_wait3A_569 = tpu.memref_slice %arg2[%add3A_92] : memref<204800xi32, #tpu.memory_space<hbm>> -> memref<480xi32, #tpu.memory_space<hbm>>
      %dma_wait3A_570 = arith.constant 0 : i32
      %dma_wait3A_571 = tpu.memref_slice %arg6[%dma_wait3A_570] : memref<480xi32, #tpu.memory_space<vmem>> -> memref<480xi32, #tpu.memory_space<vmem>>
      %dma_wait3A_572 = tpu.memref_slice %arg2[%add3A_92] : memref<204800xi32, #tpu.memory_space<hbm>> -> memref<480xi32, #tpu.memory_space<hbm>>
      tpu.wait_dma2 semaphore(%run_scoped3A : memref<!tpu.dma_semaphore, #tpu.memory_space<semaphore_mem>>) src(%dma_wait3A_572 : memref<480xi32, #tpu.memory_space<hbm>>) dst(%dma_wait3A_571 : memref<480xi32, #tpu.memory_space<vmem>>)
      tpu.yield
    }) : () -> ()
    %dma_start3A_93 = arith.constant 0 : i32
    %dma_start3A_94 = arith.constant 0 : i32
    %dma_start3A_95 = tpu.memref_slice %arg8[%dma_start3A_93, %dma_start3A_94] : memref<480x128xf32, #tpu.memory_space<vmem>> -> memref<480x128xf32, #tpu.memory_space<vmem>>
    %dma_start3A_96 = arith.constant 0 : i32
    %dma_start3A_97 = tpu.memref_slice %arg6[%dma_start3A_96] : memref<480xi32, #tpu.memory_space<vmem>> -> memref<480xi32, #tpu.memory_space<vmem>>
    %dma_start3A_98 = arith.constant 0 : i32
    %dma_start3A_99 = arith.constant 0 : i32
    %dma_start3A_100 = tpu.memref_slice %arg3[%dma_start3A_98, %dma_start3A_99] : memref<100000x128xf32, #tpu.memory_space<hbm>> -> memref<100000x128xf32, #tpu.memory_space<hbm>>
    tpu.enqueue_indirect_dma source(%dma_start3A_100 : memref<100000x128xf32, #tpu.memory_space<hbm>>) target(%dma_start3A_95 : memref<480x128xf32, #tpu.memory_space<vmem>>) offsets(%dma_start3A_97 : memref<480xi32, #tpu.memory_space<vmem>>) semaphore(%arg10 : memref<!tpu.dma_semaphore, #tpu.memory_space<semaphore_mem>>)
    %dma_wait3A_101 = arith.constant 0 : i32
    %dma_wait3A_102 = arith.constant 0 : i32
    %dma_wait3A_103 = tpu.memref_slice %arg7[%dma_wait3A_101, %dma_wait3A_102] : memref<480x128xf32, #tpu.memory_space<vmem>> -> memref<480x128xf32, #tpu.memory_space<vmem>>
    %dma_wait3A_104 = arith.constant 0 : i32
    %dma_wait3A_105 = tpu.memref_slice %arg5[%dma_wait3A_104] : memref<480xi32, #tpu.memory_space<vmem>> -> memref<480xi32, #tpu.memory_space<vmem>>
    %dma_wait3A_106 = arith.constant 0 : i32
    %dma_wait3A_107 = arith.constant 0 : i32
    %dma_wait3A_108 = tpu.memref_slice %arg3[%dma_wait3A_106, %dma_wait3A_107] : memref<100000x128xf32, #tpu.memory_space<hbm>> -> memref<100000x128xf32, #tpu.memory_space<hbm>>
    tpu.wait_indirect_dma semaphore(%arg9 : memref<!tpu.dma_semaphore, #tpu.memory_space<semaphore_mem>>) src(%dma_wait3A_108 : memref<100000x128xf32, #tpu.memory_space<hbm>>) dst(%dma_wait3A_103 : memref<480x128xf32, #tpu.memory_space<vmem>>)
    %add3A_109 = arith.constant 960 : i32
    %add3A_110 = arith.addi %mul3A_2, %add3A_109 : i32
    %dma_start3A_111 = arith.constant 0 : i32
    %dma_start3A_112 = arith.constant 0 : i32
    %dma_start3A_113 = tpu.memref_slice %arg7[%dma_start3A_111, %dma_start3A_112] : memref<480x128xf32, #tpu.memory_space<vmem>> -> memref<480x128xf32, #tpu.memory_space<vmem>>
    %dma_start3A_114 = arith.constant 0 : i32
    %dma_start3A_115 = tpu.memref_slice %arg4[%add3A_110, %dma_start3A_114] : memref<204800x128xf32, #tpu.memory_space<hbm>> -> memref<480x128xf32, #tpu.memory_space<hbm>>
    %dma_start3A_116 = arith.constant 0 : i32
    %dma_start3A_117 = tpu.memref_slice %arg4[%add3A_110, %dma_start3A_116] : memref<204800x128xf32, #tpu.memory_space<hbm>> -> memref<480x128xf32, #tpu.memory_space<hbm>>
    %dma_start3A_118 = arith.constant 0 : i32
    %dma_start3A_119 = arith.constant 0 : i32
    %dma_start3A_120 = tpu.memref_slice %arg7[%dma_start3A_118, %dma_start3A_119] : memref<480x128xf32, #tpu.memory_space<vmem>> -> memref<480x128xf32, #tpu.memory_space<vmem>>
    tpu.enqueue_dma source(%dma_start3A_120 : memref<480x128xf32, #tpu.memory_space<vmem>>) target(%dma_start3A_117 : memref<480x128xf32, #tpu.memory_space<hbm>>) target_semaphore(%arg11 : memref<!tpu.dma_semaphore, #tpu.memory_space<semaphore_mem>>)
    %dma_wait3A_121 = arith.constant 0 : i32
    %dma_wait3A_122 = arith.constant 0 : i32
    %dma_wait3A_123 = tpu.memref_slice %arg7[%dma_wait3A_121, %dma_wait3A_122] : memref<480x128xf32, #tpu.memory_space<vmem>> -> memref<480x128xf32, #tpu.memory_space<vmem>>
    %dma_wait3A_124 = arith.constant 0 : i32
    %dma_wait3A_125 = tpu.memref_slice %arg4[%add3A_110, %dma_wait3A_124] : memref<204800x128xf32, #tpu.memory_space<hbm>> -> memref<480x128xf32, #tpu.memory_space<hbm>>
    %dma_wait3A_126 = arith.constant 0 : i32
    %dma_wait3A_127 = tpu.memref_slice %arg4[%add3A_110, %dma_wait3A_126] : memref<204800x128xf32, #tpu.memory_space<hbm>> -> memref<480x128xf32, #tpu.memory_space<hbm>>
    %dma_wait3A_128 = arith.constant 0 : i32
    %dma_wait3A_129 = arith.constant 0 : i32
    %dma_wait3A_130 = tpu.memref_slice %arg7[%dma_wait3A_128, %dma_wait3A_129] : memref<480x128xf32, #tpu.memory_space<vmem>> -> memref<480x128xf32, #tpu.memory_space<vmem>>
    tpu.wait_dma2 semaphore(%arg11 : memref<!tpu.dma_semaphore, #tpu.memory_space<semaphore_mem>>) src(%dma_wait3A_130 : memref<480x128xf32, #tpu.memory_space<vmem>>) dst(%dma_wait3A_127 : memref<480x128xf32, #tpu.memory_space<hbm>>)
    %add3A_131 = arith.constant 1920 : i32
    %add3A_132 = arith.addi %mul3A_2, %add3A_131 : i32
    "tpu.region"() ({
      %run_scoped3A = tpu.sem_alloc : memref<!tpu.dma_semaphore, #tpu.memory_space<semaphore_mem>>
      %dma_start3A_561 = arith.constant 0 : i32
      %dma_start3A_562 = tpu.memref_slice %arg5[%dma_start3A_561] : memref<480xi32, #tpu.memory_space<vmem>> -> memref<480xi32, #tpu.memory_space<vmem>>
      %dma_start3A_563 = tpu.memref_slice %arg2[%add3A_132] : memref<204800xi32, #tpu.memory_space<hbm>> -> memref<480xi32, #tpu.memory_space<hbm>>
      %dma_start3A_564 = arith.constant 0 : i32
      %dma_start3A_565 = tpu.memref_slice %arg5[%dma_start3A_564] : memref<480xi32, #tpu.memory_space<vmem>> -> memref<480xi32, #tpu.memory_space<vmem>>
      %dma_start3A_566 = tpu.memref_slice %arg2[%add3A_132] : memref<204800xi32, #tpu.memory_space<hbm>> -> memref<480xi32, #tpu.memory_space<hbm>>
      tpu.enqueue_dma source(%dma_start3A_566 : memref<480xi32, #tpu.memory_space<hbm>>) target(%dma_start3A_565 : memref<480xi32, #tpu.memory_space<vmem>>) target_semaphore(%run_scoped3A : memref<!tpu.dma_semaphore, #tpu.memory_space<semaphore_mem>>)
      %dma_wait3A_567 = arith.constant 0 : i32
      %dma_wait3A_568 = tpu.memref_slice %arg5[%dma_wait3A_567] : memref<480xi32, #tpu.memory_space<vmem>> -> memref<480xi32, #tpu.memory_space<vmem>>
      %dma_wait3A_569 = tpu.memref_slice %arg2[%add3A_132] : memref<204800xi32, #tpu.memory_space<hbm>> -> memref<480xi32, #tpu.memory_space<hbm>>
      %dma_wait3A_570 = arith.constant 0 : i32
      %dma_wait3A_571 = tpu.memref_slice %arg5[%dma_wait3A_570] : memref<480xi32, #tpu.memory_space<vmem>> -> memref<480xi32, #tpu.memory_space<vmem>>
      %dma_wait3A_572 = tpu.memref_slice %arg2[%add3A_132] : memref<204800xi32, #tpu.memory_space<hbm>> -> memref<480xi32, #tpu.memory_space<hbm>>
      tpu.wait_dma2 semaphore(%run_scoped3A : memref<!tpu.dma_semaphore, #tpu.memory_space<semaphore_mem>>) src(%dma_wait3A_572 : memref<480xi32, #tpu.memory_space<hbm>>) dst(%dma_wait3A_571 : memref<480xi32, #tpu.memory_space<vmem>>)
      tpu.yield
    }) : () -> ()
    %dma_start3A_133 = arith.constant 0 : i32
    %dma_start3A_134 = arith.constant 0 : i32
    %dma_start3A_135 = tpu.memref_slice %arg7[%dma_start3A_133, %dma_start3A_134] : memref<480x128xf32, #tpu.memory_space<vmem>> -> memref<480x128xf32, #tpu.memory_space<vmem>>
    %dma_start3A_136 = arith.constant 0 : i32
    %dma_start3A_137 = tpu.memref_slice %arg5[%dma_start3A_136] : memref<480xi32, #tpu.memory_space<vmem>> -> memref<480xi32, #tpu.memory_space<vmem>>
    %dma_start3A_138 = arith.constant 0 : i32
    %dma_start3A_139 = arith.constant 0 : i32
    %dma_start3A_140 = tpu.memref_slice %arg3[%dma_start3A_138, %dma_start3A_139] : memref<100000x128xf32, #tpu.memory_space<hbm>> -> memref<100000x128xf32, #tpu.memory_space<hbm>>
    tpu.enqueue_indirect_dma source(%dma_start3A_140 : memref<100000x128xf32, #tpu.memory_space<hbm>>) target(%dma_start3A_135 : memref<480x128xf32, #tpu.memory_space<vmem>>) offsets(%dma_start3A_137 : memref<480xi32, #tpu.memory_space<vmem>>) semaphore(%arg9 : memref<!tpu.dma_semaphore, #tpu.memory_space<semaphore_mem>>)
    %dma_wait3A_141 = arith.constant 0 : i32
    %dma_wait3A_142 = arith.constant 0 : i32
    %dma_wait3A_143 = tpu.memref_slice %arg8[%dma_wait3A_141, %dma_wait3A_142] : memref<480x128xf32, #tpu.memory_space<vmem>> -> memref<480x128xf32, #tpu.memory_space<vmem>>
    %dma_wait3A_144 = arith.constant 0 : i32
    %dma_wait3A_145 = tpu.memref_slice %arg6[%dma_wait3A_144] : memref<480xi32, #tpu.memory_space<vmem>> -> memref<480xi32, #tpu.memory_space<vmem>>
    %dma_wait3A_146 = arith.constant 0 : i32
    %dma_wait3A_147 = arith.constant 0 : i32
    %dma_wait3A_148 = tpu.memref_slice %arg3[%dma_wait3A_146, %dma_wait3A_147] : memref<100000x128xf32, #tpu.memory_space<hbm>> -> memref<100000x128xf32, #tpu.memory_space<hbm>>
    tpu.wait_indirect_dma semaphore(%arg10 : memref<!tpu.dma_semaphore, #tpu.memory_space<semaphore_mem>>) src(%dma_wait3A_148 : memref<100000x128xf32, #tpu.memory_space<hbm>>) dst(%dma_wait3A_143 : memref<480x128xf32, #tpu.memory_space<vmem>>)
    %add3A_149 = arith.constant 1440 : i32
    %add3A_150 = arith.addi %mul3A_2, %add3A_149 : i32
    %dma_start3A_151 = arith.constant 0 : i32
    %dma_start3A_152 = arith.constant 0 : i32
    %dma_start3A_153 = tpu.memref_slice %arg8[%dma_start3A_151, %dma_start3A_152] : memref<480x128xf32, #tpu.memory_space<vmem>> -> memref<480x128xf32, #tpu.memory_space<vmem>>
    %dma_start3A_154 = arith.constant 0 : i32
    %dma_start3A_155 = tpu.memref_slice %arg4[%add3A_150, %dma_start3A_154] : memref<204800x128xf32, #tpu.memory_space<hbm>> -> memref<480x128xf32, #tpu.memory_space<hbm>>
    %dma_start3A_156 = arith.constant 0 : i32
    %dma_start3A_157 = tpu.memref_slice %arg4[%add3A_150, %dma_start3A_156] : memref<204800x128xf32, #tpu.memory_space<hbm>> -> memref<480x128xf32, #tpu.memory_space<hbm>>
    %dma_start3A_158 = arith.constant 0 : i32
    %dma_start3A_159 = arith.constant 0 : i32
    %dma_start3A_160 = tpu.memref_slice %arg8[%dma_start3A_158, %dma_start3A_159] : memref<480x128xf32, #tpu.memory_space<vmem>> -> memref<480x128xf32, #tpu.memory_space<vmem>>
    tpu.enqueue_dma source(%dma_start3A_160 : memref<480x128xf32, #tpu.memory_space<vmem>>) target(%dma_start3A_157 : memref<480x128xf32, #tpu.memory_space<hbm>>) target_semaphore(%arg12 : memref<!tpu.dma_semaphore, #tpu.memory_space<semaphore_mem>>)
    %dma_wait3A_161 = arith.constant 0 : i32
    %dma_wait3A_162 = arith.constant 0 : i32
    %dma_wait3A_163 = tpu.memref_slice %arg8[%dma_wait3A_161, %dma_wait3A_162] : memref<480x128xf32, #tpu.memory_space<vmem>> -> memref<480x128xf32, #tpu.memory_space<vmem>>
    %dma_wait3A_164 = arith.constant 0 : i32
    %dma_wait3A_165 = tpu.memref_slice %arg4[%add3A_150, %dma_wait3A_164] : memref<204800x128xf32, #tpu.memory_space<hbm>> -> memref<480x128xf32, #tpu.memory_space<hbm>>
    %dma_wait3A_166 = arith.constant 0 : i32
    %dma_wait3A_167 = tpu.memref_slice %arg4[%add3A_150, %dma_wait3A_166] : memref<204800x128xf32, #tpu.memory_space<hbm>> -> memref<480x128xf32, #tpu.memory_space<hbm>>
    %dma_wait3A_168 = arith.constant 0 : i32
    %dma_wait3A_169 = arith.constant 0 : i32
    %dma_wait3A_170 = tpu.memref_slice %arg8[%dma_wait3A_168, %dma_wait3A_169] : memref<480x128xf32, #tpu.memory_space<vmem>> -> memref<480x128xf32, #tpu.memory_space<vmem>>
    tpu.wait_dma2 semaphore(%arg12 : memref<!tpu.dma_semaphore, #tpu.memory_space<semaphore_mem>>) src(%dma_wait3A_170 : memref<480x128xf32, #tpu.memory_space<vmem>>) dst(%dma_wait3A_167 : memref<480x128xf32, #tpu.memory_space<hbm>>)
    %add3A_171 = arith.constant 2400 : i32
    %add3A_172 = arith.addi %mul3A_2, %add3A_171 : i32
    "tpu.region"() ({
      %run_scoped3A = tpu.sem_alloc : memref<!tpu.dma_semaphore, #tpu.memory_space<semaphore_mem>>
      %dma_start3A_561 = arith.constant 0 : i32
      %dma_start3A_562 = tpu.memref_slice %arg6[%dma_start3A_561] : memref<480xi32, #tpu.memory_space<vmem>> -> memref<480xi32, #tpu.memory_space<vmem>>
      %dma_start3A_563 = tpu.memref_slice %arg2[%add3A_172] : memref<204800xi32, #tpu.memory_space<hbm>> -> memref<480xi32, #tpu.memory_space<hbm>>
      %dma_start3A_564 = arith.constant 0 : i32
      %dma_start3A_565 = tpu.memref_slice %arg6[%dma_start3A_564] : memref<480xi32, #tpu.memory_space<vmem>> -> memref<480xi32, #tpu.memory_space<vmem>>
      %dma_start3A_566 = tpu.memref_slice %arg2[%add3A_172] : memref<204800xi32, #tpu.memory_space<hbm>> -> memref<480xi32, #tpu.memory_space<hbm>>
      tpu.enqueue_dma source(%dma_start3A_566 : memref<480xi32, #tpu.memory_space<hbm>>) target(%dma_start3A_565 : memref<480xi32, #tpu.memory_space<vmem>>) target_semaphore(%run_scoped3A : memref<!tpu.dma_semaphore, #tpu.memory_space<semaphore_mem>>)
      %dma_wait3A_567 = arith.constant 0 : i32
      %dma_wait3A_568 = tpu.memref_slice %arg6[%dma_wait3A_567] : memref<480xi32, #tpu.memory_space<vmem>> -> memref<480xi32, #tpu.memory_space<vmem>>
      %dma_wait3A_569 = tpu.memref_slice %arg2[%add3A_172] : memref<204800xi32, #tpu.memory_space<hbm>> -> memref<480xi32, #tpu.memory_space<hbm>>
      %dma_wait3A_570 = arith.constant 0 : i32
      %dma_wait3A_571 = tpu.memref_slice %arg6[%dma_wait3A_570] : memref<480xi32, #tpu.memory_space<vmem>> -> memref<480xi32, #tpu.memory_space<vmem>>
      %dma_wait3A_572 = tpu.memref_slice %arg2[%add3A_172] : memref<204800xi32, #tpu.memory_space<hbm>> -> memref<480xi32, #tpu.memory_space<hbm>>
      tpu.wait_dma2 semaphore(%run_scoped3A : memref<!tpu.dma_semaphore, #tpu.memory_space<semaphore_mem>>) src(%dma_wait3A_572 : memref<480xi32, #tpu.memory_space<hbm>>) dst(%dma_wait3A_571 : memref<480xi32, #tpu.memory_space<vmem>>)
      tpu.yield
    }) : () -> ()
    %dma_start3A_173 = arith.constant 0 : i32
    %dma_start3A_174 = arith.constant 0 : i32
    %dma_start3A_175 = tpu.memref_slice %arg8[%dma_start3A_173, %dma_start3A_174] : memref<480x128xf32, #tpu.memory_space<vmem>> -> memref<480x128xf32, #tpu.memory_space<vmem>>
    %dma_start3A_176 = arith.constant 0 : i32
    %dma_start3A_177 = tpu.memref_slice %arg6[%dma_start3A_176] : memref<480xi32, #tpu.memory_space<vmem>> -> memref<480xi32, #tpu.memory_space<vmem>>
    %dma_start3A_178 = arith.constant 0 : i32
    %dma_start3A_179 = arith.constant 0 : i32
    %dma_start3A_180 = tpu.memref_slice %arg3[%dma_start3A_178, %dma_start3A_179] : memref<100000x128xf32, #tpu.memory_space<hbm>> -> memref<100000x128xf32, #tpu.memory_space<hbm>>
    tpu.enqueue_indirect_dma source(%dma_start3A_180 : memref<100000x128xf32, #tpu.memory_space<hbm>>) target(%dma_start3A_175 : memref<480x128xf32, #tpu.memory_space<vmem>>) offsets(%dma_start3A_177 : memref<480xi32, #tpu.memory_space<vmem>>) semaphore(%arg10 : memref<!tpu.dma_semaphore, #tpu.memory_space<semaphore_mem>>)
    %dma_wait3A_181 = arith.constant 0 : i32
    %dma_wait3A_182 = arith.constant 0 : i32
    %dma_wait3A_183 = tpu.memref_slice %arg7[%dma_wait3A_181, %dma_wait3A_182] : memref<480x128xf32, #tpu.memory_space<vmem>> -> memref<480x128xf32, #tpu.memory_space<vmem>>
    %dma_wait3A_184 = arith.constant 0 : i32
    %dma_wait3A_185 = tpu.memref_slice %arg5[%dma_wait3A_184] : memref<480xi32, #tpu.memory_space<vmem>> -> memref<480xi32, #tpu.memory_space<vmem>>
    %dma_wait3A_186 = arith.constant 0 : i32
    %dma_wait3A_187 = arith.constant 0 : i32
    %dma_wait3A_188 = tpu.memref_slice %arg3[%dma_wait3A_186, %dma_wait3A_187] : memref<100000x128xf32, #tpu.memory_space<hbm>> -> memref<100000x128xf32, #tpu.memory_space<hbm>>
    tpu.wait_indirect_dma semaphore(%arg9 : memref<!tpu.dma_semaphore, #tpu.memory_space<semaphore_mem>>) src(%dma_wait3A_188 : memref<100000x128xf32, #tpu.memory_space<hbm>>) dst(%dma_wait3A_183 : memref<480x128xf32, #tpu.memory_space<vmem>>)
    %add3A_189 = arith.constant 1920 : i32
    %add3A_190 = arith.addi %mul3A_2, %add3A_189 : i32
    %dma_start3A_191 = arith.constant 0 : i32
    %dma_start3A_192 = arith.constant 0 : i32
    %dma_start3A_193 = tpu.memref_slice %arg7[%dma_start3A_191, %dma_start3A_192] : memref<480x128xf32, #tpu.memory_space<vmem>> -> memref<480x128xf32, #tpu.memory_space<vmem>>
    %dma_start3A_194 = arith.constant 0 : i32
    %dma_start3A_195 = tpu.memref_slice %arg4[%add3A_190, %dma_start3A_194] : memref<204800x128xf32, #tpu.memory_space<hbm>> -> memref<480x128xf32, #tpu.memory_space<hbm>>
    %dma_start3A_196 = arith.constant 0 : i32
    %dma_start3A_197 = tpu.memref_slice %arg4[%add3A_190, %dma_start3A_196] : memref<204800x128xf32, #tpu.memory_space<hbm>> -> memref<480x128xf32, #tpu.memory_space<hbm>>
    %dma_start3A_198 = arith.constant 0 : i32
    %dma_start3A_199 = arith.constant 0 : i32
    %dma_start3A_200 = tpu.memref_slice %arg7[%dma_start3A_198, %dma_start3A_199] : memref<480x128xf32, #tpu.memory_space<vmem>> -> memref<480x128xf32, #tpu.memory_space<vmem>>
    tpu.enqueue_dma source(%dma_start3A_200 : memref<480x128xf32, #tpu.memory_space<vmem>>) target(%dma_start3A_197 : memref<480x128xf32, #tpu.memory_space<hbm>>) target_semaphore(%arg11 : memref<!tpu.dma_semaphore, #tpu.memory_space<semaphore_mem>>)
    %dma_wait3A_201 = arith.constant 0 : i32
    %dma_wait3A_202 = arith.constant 0 : i32
    %dma_wait3A_203 = tpu.memref_slice %arg7[%dma_wait3A_201, %dma_wait3A_202] : memref<480x128xf32, #tpu.memory_space<vmem>> -> memref<480x128xf32, #tpu.memory_space<vmem>>
    %dma_wait3A_204 = arith.constant 0 : i32
    %dma_wait3A_205 = tpu.memref_slice %arg4[%add3A_190, %dma_wait3A_204] : memref<204800x128xf32, #tpu.memory_space<hbm>> -> memref<480x128xf32, #tpu.memory_space<hbm>>
    %dma_wait3A_206 = arith.constant 0 : i32
    %dma_wait3A_207 = tpu.memref_slice %arg4[%add3A_190, %dma_wait3A_206] : memref<204800x128xf32, #tpu.memory_space<hbm>> -> memref<480x128xf32, #tpu.memory_space<hbm>>
    %dma_wait3A_208 = arith.constant 0 : i32
    %dma_wait3A_209 = arith.constant 0 : i32
    %dma_wait3A_210 = tpu.memref_slice %arg7[%dma_wait3A_208, %dma_wait3A_209] : memref<480x128xf32, #tpu.memory_space<vmem>> -> memref<480x128xf32, #tpu.memory_space<vmem>>
    tpu.wait_dma2 semaphore(%arg11 : memref<!tpu.dma_semaphore, #tpu.memory_space<semaphore_mem>>) src(%dma_wait3A_210 : memref<480x128xf32, #tpu.memory_space<vmem>>) dst(%dma_wait3A_207 : memref<480x128xf32, #tpu.memory_space<hbm>>)
    %add3A_211 = arith.constant 2880 : i32
    %add3A_212 = arith.addi %mul3A_2, %add3A_211 : i32
    "tpu.region"() ({
      %run_scoped3A = tpu.sem_alloc : memref<!tpu.dma_semaphore, #tpu.memory_space<semaphore_mem>>
      %dma_start3A_561 = arith.constant 0 : i32
      %dma_start3A_562 = tpu.memref_slice %arg5[%dma_start3A_561] : memref<480xi32, #tpu.memory_space<vmem>> -> memref<480xi32, #tpu.memory_space<vmem>>
      %dma_start3A_563 = tpu.memref_slice %arg2[%add3A_212] : memref<204800xi32, #tpu.memory_space<hbm>> -> memref<480xi32, #tpu.memory_space<hbm>>
      %dma_start3A_564 = arith.constant 0 : i32
      %dma_start3A_565 = tpu.memref_slice %arg5[%dma_start3A_564] : memref<480xi32, #tpu.memory_space<vmem>> -> memref<480xi32, #tpu.memory_space<vmem>>
      %dma_start3A_566 = tpu.memref_slice %arg2[%add3A_212] : memref<204800xi32, #tpu.memory_space<hbm>> -> memref<480xi32, #tpu.memory_space<hbm>>
      tpu.enqueue_dma source(%dma_start3A_566 : memref<480xi32, #tpu.memory_space<hbm>>) target(%dma_start3A_565 : memref<480xi32, #tpu.memory_space<vmem>>) target_semaphore(%run_scoped3A : memref<!tpu.dma_semaphore, #tpu.memory_space<semaphore_mem>>)
      %dma_wait3A_567 = arith.constant 0 : i32
      %dma_wait3A_568 = tpu.memref_slice %arg5[%dma_wait3A_567] : memref<480xi32, #tpu.memory_space<vmem>> -> memref<480xi32, #tpu.memory_space<vmem>>
      %dma_wait3A_569 = tpu.memref_slice %arg2[%add3A_212] : memref<204800xi32, #tpu.memory_space<hbm>> -> memref<480xi32, #tpu.memory_space<hbm>>
      %dma_wait3A_570 = arith.constant 0 : i32
      %dma_wait3A_571 = tpu.memref_slice %arg5[%dma_wait3A_570] : memref<480xi32, #tpu.memory_space<vmem>> -> memref<480xi32, #tpu.memory_space<vmem>>
      %dma_wait3A_572 = tpu.memref_slice %arg2[%add3A_212] : memref<204800xi32, #tpu.memory_space<hbm>> -> memref<480xi32, #tpu.memory_space<hbm>>
      tpu.wait_dma2 semaphore(%run_scoped3A : memref<!tpu.dma_semaphore, #tpu.memory_space<semaphore_mem>>) src(%dma_wait3A_572 : memref<480xi32, #tpu.memory_space<hbm>>) dst(%dma_wait3A_571 : memref<480xi32, #tpu.memory_space<vmem>>)
      tpu.yield
    }) : () -> ()
    %dma_start3A_213 = arith.constant 0 : i32
    %dma_start3A_214 = arith.constant 0 : i32
    %dma_start3A_215 = tpu.memref_slice %arg7[%dma_start3A_213, %dma_start3A_214] : memref<480x128xf32, #tpu.memory_space<vmem>> -> memref<480x128xf32, #tpu.memory_space<vmem>>
    %dma_start3A_216 = arith.constant 0 : i32
    %dma_start3A_217 = tpu.memref_slice %arg5[%dma_start3A_216] : memref<480xi32, #tpu.memory_space<vmem>> -> memref<480xi32, #tpu.memory_space<vmem>>
    %dma_start3A_218 = arith.constant 0 : i32
    %dma_start3A_219 = arith.constant 0 : i32
    %dma_start3A_220 = tpu.memref_slice %arg3[%dma_start3A_218, %dma_start3A_219] : memref<100000x128xf32, #tpu.memory_space<hbm>> -> memref<100000x128xf32, #tpu.memory_space<hbm>>
    tpu.enqueue_indirect_dma source(%dma_start3A_220 : memref<100000x128xf32, #tpu.memory_space<hbm>>) target(%dma_start3A_215 : memref<480x128xf32, #tpu.memory_space<vmem>>) offsets(%dma_start3A_217 : memref<480xi32, #tpu.memory_space<vmem>>) semaphore(%arg9 : memref<!tpu.dma_semaphore, #tpu.memory_space<semaphore_mem>>)
    %dma_wait3A_221 = arith.constant 0 : i32
    %dma_wait3A_222 = arith.constant 0 : i32
    %dma_wait3A_223 = tpu.memref_slice %arg8[%dma_wait3A_221, %dma_wait3A_222] : memref<480x128xf32, #tpu.memory_space<vmem>> -> memref<480x128xf32, #tpu.memory_space<vmem>>
    %dma_wait3A_224 = arith.constant 0 : i32
    %dma_wait3A_225 = tpu.memref_slice %arg6[%dma_wait3A_224] : memref<480xi32, #tpu.memory_space<vmem>> -> memref<480xi32, #tpu.memory_space<vmem>>
    %dma_wait3A_226 = arith.constant 0 : i32
    %dma_wait3A_227 = arith.constant 0 : i32
    %dma_wait3A_228 = tpu.memref_slice %arg3[%dma_wait3A_226, %dma_wait3A_227] : memref<100000x128xf32, #tpu.memory_space<hbm>> -> memref<100000x128xf32, #tpu.memory_space<hbm>>
    tpu.wait_indirect_dma semaphore(%arg10 : memref<!tpu.dma_semaphore, #tpu.memory_space<semaphore_mem>>) src(%dma_wait3A_228 : memref<100000x128xf32, #tpu.memory_space<hbm>>) dst(%dma_wait3A_223 : memref<480x128xf32, #tpu.memory_space<vmem>>)
    %add3A_229 = arith.constant 2400 : i32
    %add3A_230 = arith.addi %mul3A_2, %add3A_229 : i32
    %dma_start3A_231 = arith.constant 0 : i32
    %dma_start3A_232 = arith.constant 0 : i32
    %dma_start3A_233 = tpu.memref_slice %arg8[%dma_start3A_231, %dma_start3A_232] : memref<480x128xf32, #tpu.memory_space<vmem>> -> memref<480x128xf32, #tpu.memory_space<vmem>>
    %dma_start3A_234 = arith.constant 0 : i32
    %dma_start3A_235 = tpu.memref_slice %arg4[%add3A_230, %dma_start3A_234] : memref<204800x128xf32, #tpu.memory_space<hbm>> -> memref<480x128xf32, #tpu.memory_space<hbm>>
    %dma_start3A_236 = arith.constant 0 : i32
    %dma_start3A_237 = tpu.memref_slice %arg4[%add3A_230, %dma_start3A_236] : memref<204800x128xf32, #tpu.memory_space<hbm>> -> memref<480x128xf32, #tpu.memory_space<hbm>>
    %dma_start3A_238 = arith.constant 0 : i32
    %dma_start3A_239 = arith.constant 0 : i32
    %dma_start3A_240 = tpu.memref_slice %arg8[%dma_start3A_238, %dma_start3A_239] : memref<480x128xf32, #tpu.memory_space<vmem>> -> memref<480x128xf32, #tpu.memory_space<vmem>>
    tpu.enqueue_dma source(%dma_start3A_240 : memref<480x128xf32, #tpu.memory_space<vmem>>) target(%dma_start3A_237 : memref<480x128xf32, #tpu.memory_space<hbm>>) target_semaphore(%arg12 : memref<!tpu.dma_semaphore, #tpu.memory_space<semaphore_mem>>)
    %dma_wait3A_241 = arith.constant 0 : i32
    %dma_wait3A_242 = arith.constant 0 : i32
    %dma_wait3A_243 = tpu.memref_slice %arg8[%dma_wait3A_241, %dma_wait3A_242] : memref<480x128xf32, #tpu.memory_space<vmem>> -> memref<480x128xf32, #tpu.memory_space<vmem>>
    %dma_wait3A_244 = arith.constant 0 : i32
    %dma_wait3A_245 = tpu.memref_slice %arg4[%add3A_230, %dma_wait3A_244] : memref<204800x128xf32, #tpu.memory_space<hbm>> -> memref<480x128xf32, #tpu.memory_space<hbm>>
    %dma_wait3A_246 = arith.constant 0 : i32
    %dma_wait3A_247 = tpu.memref_slice %arg4[%add3A_230, %dma_wait3A_246] : memref<204800x128xf32, #tpu.memory_space<hbm>> -> memref<480x128xf32, #tpu.memory_space<hbm>>
    %dma_wait3A_248 = arith.constant 0 : i32
    %dma_wait3A_249 = arith.constant 0 : i32
    %dma_wait3A_250 = tpu.memref_slice %arg8[%dma_wait3A_248, %dma_wait3A_249] : memref<480x128xf32, #tpu.memory_space<vmem>> -> memref<480x128xf32, #tpu.memory_space<vmem>>
    tpu.wait_dma2 semaphore(%arg12 : memref<!tpu.dma_semaphore, #tpu.memory_space<semaphore_mem>>) src(%dma_wait3A_250 : memref<480x128xf32, #tpu.memory_space<vmem>>) dst(%dma_wait3A_247 : memref<480x128xf32, #tpu.memory_space<hbm>>)
    %add3A_251 = arith.constant 3360 : i32
    %add3A_252 = arith.addi %mul3A_2, %add3A_251 : i32
    "tpu.region"() ({
      %run_scoped3A = tpu.sem_alloc : memref<!tpu.dma_semaphore, #tpu.memory_space<semaphore_mem>>
      %dma_start3A_561 = arith.constant 0 : i32
      %dma_start3A_562 = tpu.memref_slice %arg6[%dma_start3A_561] : memref<480xi32, #tpu.memory_space<vmem>> -> memref<480xi32, #tpu.memory_space<vmem>>
      %dma_start3A_563 = tpu.memref_slice %arg2[%add3A_252] : memref<204800xi32, #tpu.memory_space<hbm>> -> memref<480xi32, #tpu.memory_space<hbm>>
      %dma_start3A_564 = arith.constant 0 : i32
      %dma_start3A_565 = tpu.memref_slice %arg6[%dma_start3A_564] : memref<480xi32, #tpu.memory_space<vmem>> -> memref<480xi32, #tpu.memory_space<vmem>>
      %dma_start3A_566 = tpu.memref_slice %arg2[%add3A_252] : memref<204800xi32, #tpu.memory_space<hbm>> -> memref<480xi32, #tpu.memory_space<hbm>>
      tpu.enqueue_dma source(%dma_start3A_566 : memref<480xi32, #tpu.memory_space<hbm>>) target(%dma_start3A_565 : memref<480xi32, #tpu.memory_space<vmem>>) target_semaphore(%run_scoped3A : memref<!tpu.dma_semaphore, #tpu.memory_space<semaphore_mem>>)
      %dma_wait3A_567 = arith.constant 0 : i32
      %dma_wait3A_568 = tpu.memref_slice %arg6[%dma_wait3A_567] : memref<480xi32, #tpu.memory_space<vmem>> -> memref<480xi32, #tpu.memory_space<vmem>>
      %dma_wait3A_569 = tpu.memref_slice %arg2[%add3A_252] : memref<204800xi32, #tpu.memory_space<hbm>> -> memref<480xi32, #tpu.memory_space<hbm>>
      %dma_wait3A_570 = arith.constant 0 : i32
      %dma_wait3A_571 = tpu.memref_slice %arg6[%dma_wait3A_570] : memref<480xi32, #tpu.memory_space<vmem>> -> memref<480xi32, #tpu.memory_space<vmem>>
      %dma_wait3A_572 = tpu.memref_slice %arg2[%add3A_252] : memref<204800xi32, #tpu.memory_space<hbm>> -> memref<480xi32, #tpu.memory_space<hbm>>
      tpu.wait_dma2 semaphore(%run_scoped3A : memref<!tpu.dma_semaphore, #tpu.memory_space<semaphore_mem>>) src(%dma_wait3A_572 : memref<480xi32, #tpu.memory_space<hbm>>) dst(%dma_wait3A_571 : memref<480xi32, #tpu.memory_space<vmem>>)
      tpu.yield
    }) : () -> ()
    %dma_start3A_253 = arith.constant 0 : i32
    %dma_start3A_254 = arith.constant 0 : i32
    %dma_start3A_255 = tpu.memref_slice %arg8[%dma_start3A_253, %dma_start3A_254] : memref<480x128xf32, #tpu.memory_space<vmem>> -> memref<480x128xf32, #tpu.memory_space<vmem>>
    %dma_start3A_256 = arith.constant 0 : i32
    %dma_start3A_257 = tpu.memref_slice %arg6[%dma_start3A_256] : memref<480xi32, #tpu.memory_space<vmem>> -> memref<480xi32, #tpu.memory_space<vmem>>
    %dma_start3A_258 = arith.constant 0 : i32
    %dma_start3A_259 = arith.constant 0 : i32
    %dma_start3A_260 = tpu.memref_slice %arg3[%dma_start3A_258, %dma_start3A_259] : memref<100000x128xf32, #tpu.memory_space<hbm>> -> memref<100000x128xf32, #tpu.memory_space<hbm>>
    tpu.enqueue_indirect_dma source(%dma_start3A_260 : memref<100000x128xf32, #tpu.memory_space<hbm>>) target(%dma_start3A_255 : memref<480x128xf32, #tpu.memory_space<vmem>>) offsets(%dma_start3A_257 : memref<480xi32, #tpu.memory_space<vmem>>) semaphore(%arg10 : memref<!tpu.dma_semaphore, #tpu.memory_space<semaphore_mem>>)
    %dma_wait3A_261 = arith.constant 0 : i32
    %dma_wait3A_262 = arith.constant 0 : i32
    %dma_wait3A_263 = tpu.memref_slice %arg7[%dma_wait3A_261, %dma_wait3A_262] : memref<480x128xf32, #tpu.memory_space<vmem>> -> memref<480x128xf32, #tpu.memory_space<vmem>>
    %dma_wait3A_264 = arith.constant 0 : i32
    %dma_wait3A_265 = tpu.memref_slice %arg5[%dma_wait3A_264] : memref<480xi32, #tpu.memory_space<vmem>> -> memref<480xi32, #tpu.memory_space<vmem>>
    %dma_wait3A_266 = arith.constant 0 : i32
    %dma_wait3A_267 = arith.constant 0 : i32
    %dma_wait3A_268 = tpu.memref_slice %arg3[%dma_wait3A_266, %dma_wait3A_267] : memref<100000x128xf32, #tpu.memory_space<hbm>> -> memref<100000x128xf32, #tpu.memory_space<hbm>>
    tpu.wait_indirect_dma semaphore(%arg9 : memref<!tpu.dma_semaphore, #tpu.memory_space<semaphore_mem>>) src(%dma_wait3A_268 : memref<100000x128xf32, #tpu.memory_space<hbm>>) dst(%dma_wait3A_263 : memref<480x128xf32, #tpu.memory_space<vmem>>)
    %add3A_269 = arith.constant 2880 : i32
    %add3A_270 = arith.addi %mul3A_2, %add3A_269 : i32
    %dma_start3A_271 = arith.constant 0 : i32
    %dma_start3A_272 = arith.constant 0 : i32
    %dma_start3A_273 = tpu.memref_slice %arg7[%dma_start3A_271, %dma_start3A_272] : memref<480x128xf32, #tpu.memory_space<vmem>> -> memref<480x128xf32, #tpu.memory_space<vmem>>
    %dma_start3A_274 = arith.constant 0 : i32
    %dma_start3A_275 = tpu.memref_slice %arg4[%add3A_270, %dma_start3A_274] : memref<204800x128xf32, #tpu.memory_space<hbm>> -> memref<480x128xf32, #tpu.memory_space<hbm>>
    %dma_start3A_276 = arith.constant 0 : i32
    %dma_start3A_277 = tpu.memref_slice %arg4[%add3A_270, %dma_start3A_276] : memref<204800x128xf32, #tpu.memory_space<hbm>> -> memref<480x128xf32, #tpu.memory_space<hbm>>
    %dma_start3A_278 = arith.constant 0 : i32
    %dma_start3A_279 = arith.constant 0 : i32
    %dma_start3A_280 = tpu.memref_slice %arg7[%dma_start3A_278, %dma_start3A_279] : memref<480x128xf32, #tpu.memory_space<vmem>> -> memref<480x128xf32, #tpu.memory_space<vmem>>
    tpu.enqueue_dma source(%dma_start3A_280 : memref<480x128xf32, #tpu.memory_space<vmem>>) target(%dma_start3A_277 : memref<480x128xf32, #tpu.memory_space<hbm>>) target_semaphore(%arg11 : memref<!tpu.dma_semaphore, #tpu.memory_space<semaphore_mem>>)
    %dma_wait3A_281 = arith.constant 0 : i32
    %dma_wait3A_282 = arith.constant 0 : i32
    %dma_wait3A_283 = tpu.memref_slice %arg7[%dma_wait3A_281, %dma_wait3A_282] : memref<480x128xf32, #tpu.memory_space<vmem>> -> memref<480x128xf32, #tpu.memory_space<vmem>>
    %dma_wait3A_284 = arith.constant 0 : i32
    %dma_wait3A_285 = tpu.memref_slice %arg4[%add3A_270, %dma_wait3A_284] : memref<204800x128xf32, #tpu.memory_space<hbm>> -> memref<480x128xf32, #tpu.memory_space<hbm>>
    %dma_wait3A_286 = arith.constant 0 : i32
    %dma_wait3A_287 = tpu.memref_slice %arg4[%add3A_270, %dma_wait3A_286] : memref<204800x128xf32, #tpu.memory_space<hbm>> -> memref<480x128xf32, #tpu.memory_space<hbm>>
    %dma_wait3A_288 = arith.constant 0 : i32
    %dma_wait3A_289 = arith.constant 0 : i32
    %dma_wait3A_290 = tpu.memref_slice %arg7[%dma_wait3A_288, %dma_wait3A_289] : memref<480x128xf32, #tpu.memory_space<vmem>> -> memref<480x128xf32, #tpu.memory_space<vmem>>
    tpu.wait_dma2 semaphore(%arg11 : memref<!tpu.dma_semaphore, #tpu.memory_space<semaphore_mem>>) src(%dma_wait3A_290 : memref<480x128xf32, #tpu.memory_space<vmem>>) dst(%dma_wait3A_287 : memref<480x128xf32, #tpu.memory_space<hbm>>)
    %add3A_291 = arith.constant 3840 : i32
    %add3A_292 = arith.addi %mul3A_2, %add3A_291 : i32
    "tpu.region"() ({
      %run_scoped3A = tpu.sem_alloc : memref<!tpu.dma_semaphore, #tpu.memory_space<semaphore_mem>>
      %dma_start3A_561 = arith.constant 0 : i32
      %dma_start3A_562 = tpu.memref_slice %arg5[%dma_start3A_561] : memref<480xi32, #tpu.memory_space<vmem>> -> memref<480xi32, #tpu.memory_space<vmem>>
      %dma_start3A_563 = tpu.memref_slice %arg2[%add3A_292] : memref<204800xi32, #tpu.memory_space<hbm>> -> memref<480xi32, #tpu.memory_space<hbm>>
      %dma_start3A_564 = arith.constant 0 : i32
      %dma_start3A_565 = tpu.memref_slice %arg5[%dma_start3A_564] : memref<480xi32, #tpu.memory_space<vmem>> -> memref<480xi32, #tpu.memory_space<vmem>>
      %dma_start3A_566 = tpu.memref_slice %arg2[%add3A_292] : memref<204800xi32, #tpu.memory_space<hbm>> -> memref<480xi32, #tpu.memory_space<hbm>>
      tpu.enqueue_dma source(%dma_start3A_566 : memref<480xi32, #tpu.memory_space<hbm>>) target(%dma_start3A_565 : memref<480xi32, #tpu.memory_space<vmem>>) target_semaphore(%run_scoped3A : memref<!tpu.dma_semaphore, #tpu.memory_space<semaphore_mem>>)
      %dma_wait3A_567 = arith.constant 0 : i32
      %dma_wait3A_568 = tpu.memref_slice %arg5[%dma_wait3A_567] : memref<480xi32, #tpu.memory_space<vmem>> -> memref<480xi32, #tpu.memory_space<vmem>>
      %dma_wait3A_569 = tpu.memref_slice %arg2[%add3A_292] : memref<204800xi32, #tpu.memory_space<hbm>> -> memref<480xi32, #tpu.memory_space<hbm>>
      %dma_wait3A_570 = arith.constant 0 : i32
      %dma_wait3A_571 = tpu.memref_slice %arg5[%dma_wait3A_570] : memref<480xi32, #tpu.memory_space<vmem>> -> memref<480xi32, #tpu.memory_space<vmem>>
      %dma_wait3A_572 = tpu.memref_slice %arg2[%add3A_292] : memref<204800xi32, #tpu.memory_space<hbm>> -> memref<480xi32, #tpu.memory_space<hbm>>
      tpu.wait_dma2 semaphore(%run_scoped3A : memref<!tpu.dma_semaphore, #tpu.memory_space<semaphore_mem>>) src(%dma_wait3A_572 : memref<480xi32, #tpu.memory_space<hbm>>) dst(%dma_wait3A_571 : memref<480xi32, #tpu.memory_space<vmem>>)
      tpu.yield
    }) : () -> ()
    %dma_start3A_293 = arith.constant 0 : i32
    %dma_start3A_294 = arith.constant 0 : i32
    %dma_start3A_295 = tpu.memref_slice %arg7[%dma_start3A_293, %dma_start3A_294] : memref<480x128xf32, #tpu.memory_space<vmem>> -> memref<480x128xf32, #tpu.memory_space<vmem>>
    %dma_start3A_296 = arith.constant 0 : i32
    %dma_start3A_297 = tpu.memref_slice %arg5[%dma_start3A_296] : memref<480xi32, #tpu.memory_space<vmem>> -> memref<480xi32, #tpu.memory_space<vmem>>
    %dma_start3A_298 = arith.constant 0 : i32
    %dma_start3A_299 = arith.constant 0 : i32
    %dma_start3A_300 = tpu.memref_slice %arg3[%dma_start3A_298, %dma_start3A_299] : memref<100000x128xf32, #tpu.memory_space<hbm>> -> memref<100000x128xf32, #tpu.memory_space<hbm>>
    tpu.enqueue_indirect_dma source(%dma_start3A_300 : memref<100000x128xf32, #tpu.memory_space<hbm>>) target(%dma_start3A_295 : memref<480x128xf32, #tpu.memory_space<vmem>>) offsets(%dma_start3A_297 : memref<480xi32, #tpu.memory_space<vmem>>) semaphore(%arg9 : memref<!tpu.dma_semaphore, #tpu.memory_space<semaphore_mem>>)
    %dma_wait3A_301 = arith.constant 0 : i32
    %dma_wait3A_302 = arith.constant 0 : i32
    %dma_wait3A_303 = tpu.memref_slice %arg8[%dma_wait3A_301, %dma_wait3A_302] : memref<480x128xf32, #tpu.memory_space<vmem>> -> memref<480x128xf32, #tpu.memory_space<vmem>>
    %dma_wait3A_304 = arith.constant 0 : i32
    %dma_wait3A_305 = tpu.memref_slice %arg6[%dma_wait3A_304] : memref<480xi32, #tpu.memory_space<vmem>> -> memref<480xi32, #tpu.memory_space<vmem>>
    %dma_wait3A_306 = arith.constant 0 : i32
    %dma_wait3A_307 = arith.constant 0 : i32
    %dma_wait3A_308 = tpu.memref_slice %arg3[%dma_wait3A_306, %dma_wait3A_307] : memref<100000x128xf32, #tpu.memory_space<hbm>> -> memref<100000x128xf32, #tpu.memory_space<hbm>>
    tpu.wait_indirect_dma semaphore(%arg10 : memref<!tpu.dma_semaphore, #tpu.memory_space<semaphore_mem>>) src(%dma_wait3A_308 : memref<100000x128xf32, #tpu.memory_space<hbm>>) dst(%dma_wait3A_303 : memref<480x128xf32, #tpu.memory_space<vmem>>)
    %add3A_309 = arith.constant 3360 : i32
    %add3A_310 = arith.addi %mul3A_2, %add3A_309 : i32
    %dma_start3A_311 = arith.constant 0 : i32
    %dma_start3A_312 = arith.constant 0 : i32
    %dma_start3A_313 = tpu.memref_slice %arg8[%dma_start3A_311, %dma_start3A_312] : memref<480x128xf32, #tpu.memory_space<vmem>> -> memref<480x128xf32, #tpu.memory_space<vmem>>
    %dma_start3A_314 = arith.constant 0 : i32
    %dma_start3A_315 = tpu.memref_slice %arg4[%add3A_310, %dma_start3A_314] : memref<204800x128xf32, #tpu.memory_space<hbm>> -> memref<480x128xf32, #tpu.memory_space<hbm>>
    %dma_start3A_316 = arith.constant 0 : i32
    %dma_start3A_317 = tpu.memref_slice %arg4[%add3A_310, %dma_start3A_316] : memref<204800x128xf32, #tpu.memory_space<hbm>> -> memref<480x128xf32, #tpu.memory_space<hbm>>
    %dma_start3A_318 = arith.constant 0 : i32
    %dma_start3A_319 = arith.constant 0 : i32
    %dma_start3A_320 = tpu.memref_slice %arg8[%dma_start3A_318, %dma_start3A_319] : memref<480x128xf32, #tpu.memory_space<vmem>> -> memref<480x128xf32, #tpu.memory_space<vmem>>
    tpu.enqueue_dma source(%dma_start3A_320 : memref<480x128xf32, #tpu.memory_space<vmem>>) target(%dma_start3A_317 : memref<480x128xf32, #tpu.memory_space<hbm>>) target_semaphore(%arg12 : memref<!tpu.dma_semaphore, #tpu.memory_space<semaphore_mem>>)
    %dma_wait3A_321 = arith.constant 0 : i32
    %dma_wait3A_322 = arith.constant 0 : i32
    %dma_wait3A_323 = tpu.memref_slice %arg8[%dma_wait3A_321, %dma_wait3A_322] : memref<480x128xf32, #tpu.memory_space<vmem>> -> memref<480x128xf32, #tpu.memory_space<vmem>>
    %dma_wait3A_324 = arith.constant 0 : i32
    %dma_wait3A_325 = tpu.memref_slice %arg4[%add3A_310, %dma_wait3A_324] : memref<204800x128xf32, #tpu.memory_space<hbm>> -> memref<480x128xf32, #tpu.memory_space<hbm>>
    %dma_wait3A_326 = arith.constant 0 : i32
    %dma_wait3A_327 = tpu.memref_slice %arg4[%add3A_310, %dma_wait3A_326] : memref<204800x128xf32, #tpu.memory_space<hbm>> -> memref<480x128xf32, #tpu.memory_space<hbm>>
    %dma_wait3A_328 = arith.constant 0 : i32
    %dma_wait3A_329 = arith.constant 0 : i32
    %dma_wait3A_330 = tpu.memref_slice %arg8[%dma_wait3A_328, %dma_wait3A_329] : memref<480x128xf32, #tpu.memory_space<vmem>> -> memref<480x128xf32, #tpu.memory_space<vmem>>
    tpu.wait_dma2 semaphore(%arg12 : memref<!tpu.dma_semaphore, #tpu.memory_space<semaphore_mem>>) src(%dma_wait3A_330 : memref<480x128xf32, #tpu.memory_space<vmem>>) dst(%dma_wait3A_327 : memref<480x128xf32, #tpu.memory_space<hbm>>)
    %add3A_331 = arith.constant 4320 : i32
    %add3A_332 = arith.addi %mul3A_2, %add3A_331 : i32
    "tpu.region"() ({
      %run_scoped3A = tpu.sem_alloc : memref<!tpu.dma_semaphore, #tpu.memory_space<semaphore_mem>>
      %dma_start3A_561 = arith.constant 0 : i32
      %dma_start3A_562 = tpu.memref_slice %arg6[%dma_start3A_561] : memref<480xi32, #tpu.memory_space<vmem>> -> memref<480xi32, #tpu.memory_space<vmem>>
      %dma_start3A_563 = tpu.memref_slice %arg2[%add3A_332] : memref<204800xi32, #tpu.memory_space<hbm>> -> memref<480xi32, #tpu.memory_space<hbm>>
      %dma_start3A_564 = arith.constant 0 : i32
      %dma_start3A_565 = tpu.memref_slice %arg6[%dma_start3A_564] : memref<480xi32, #tpu.memory_space<vmem>> -> memref<480xi32, #tpu.memory_space<vmem>>
      %dma_start3A_566 = tpu.memref_slice %arg2[%add3A_332] : memref<204800xi32, #tpu.memory_space<hbm>> -> memref<480xi32, #tpu.memory_space<hbm>>
      tpu.enqueue_dma source(%dma_start3A_566 : memref<480xi32, #tpu.memory_space<hbm>>) target(%dma_start3A_565 : memref<480xi32, #tpu.memory_space<vmem>>) target_semaphore(%run_scoped3A : memref<!tpu.dma_semaphore, #tpu.memory_space<semaphore_mem>>)
      %dma_wait3A_567 = arith.constant 0 : i32
      %dma_wait3A_568 = tpu.memref_slice %arg6[%dma_wait3A_567] : memref<480xi32, #tpu.memory_space<vmem>> -> memref<480xi32, #tpu.memory_space<vmem>>
      %dma_wait3A_569 = tpu.memref_slice %arg2[%add3A_332] : memref<204800xi32, #tpu.memory_space<hbm>> -> memref<480xi32, #tpu.memory_space<hbm>>
      %dma_wait3A_570 = arith.constant 0 : i32
      %dma_wait3A_571 = tpu.memref_slice %arg6[%dma_wait3A_570] : memref<480xi32, #tpu.memory_space<vmem>> -> memref<480xi32, #tpu.memory_space<vmem>>
      %dma_wait3A_572 = tpu.memref_slice %arg2[%add3A_332] : memref<204800xi32, #tpu.memory_space<hbm>> -> memref<480xi32, #tpu.memory_space<hbm>>
      tpu.wait_dma2 semaphore(%run_scoped3A : memref<!tpu.dma_semaphore, #tpu.memory_space<semaphore_mem>>) src(%dma_wait3A_572 : memref<480xi32, #tpu.memory_space<hbm>>) dst(%dma_wait3A_571 : memref<480xi32, #tpu.memory_space<vmem>>)
      tpu.yield
    }) : () -> ()
    %dma_start3A_333 = arith.constant 0 : i32
    %dma_start3A_334 = arith.constant 0 : i32
    %dma_start3A_335 = tpu.memref_slice %arg8[%dma_start3A_333, %dma_start3A_334] : memref<480x128xf32, #tpu.memory_space<vmem>> -> memref<480x128xf32, #tpu.memory_space<vmem>>
    %dma_start3A_336 = arith.constant 0 : i32
    %dma_start3A_337 = tpu.memref_slice %arg6[%dma_start3A_336] : memref<480xi32, #tpu.memory_space<vmem>> -> memref<480xi32, #tpu.memory_space<vmem>>
    %dma_start3A_338 = arith.constant 0 : i32
    %dma_start3A_339 = arith.constant 0 : i32
    %dma_start3A_340 = tpu.memref_slice %arg3[%dma_start3A_338, %dma_start3A_339] : memref<100000x128xf32, #tpu.memory_space<hbm>> -> memref<100000x128xf32, #tpu.memory_space<hbm>>
    tpu.enqueue_indirect_dma source(%dma_start3A_340 : memref<100000x128xf32, #tpu.memory_space<hbm>>) target(%dma_start3A_335 : memref<480x128xf32, #tpu.memory_space<vmem>>) offsets(%dma_start3A_337 : memref<480xi32, #tpu.memory_space<vmem>>) semaphore(%arg10 : memref<!tpu.dma_semaphore, #tpu.memory_space<semaphore_mem>>)
    %dma_wait3A_341 = arith.constant 0 : i32
    %dma_wait3A_342 = arith.constant 0 : i32
    %dma_wait3A_343 = tpu.memref_slice %arg7[%dma_wait3A_341, %dma_wait3A_342] : memref<480x128xf32, #tpu.memory_space<vmem>> -> memref<480x128xf32, #tpu.memory_space<vmem>>
    %dma_wait3A_344 = arith.constant 0 : i32
    %dma_wait3A_345 = tpu.memref_slice %arg5[%dma_wait3A_344] : memref<480xi32, #tpu.memory_space<vmem>> -> memref<480xi32, #tpu.memory_space<vmem>>
    %dma_wait3A_346 = arith.constant 0 : i32
    %dma_wait3A_347 = arith.constant 0 : i32
    %dma_wait3A_348 = tpu.memref_slice %arg3[%dma_wait3A_346, %dma_wait3A_347] : memref<100000x128xf32, #tpu.memory_space<hbm>> -> memref<100000x128xf32, #tpu.memory_space<hbm>>
    tpu.wait_indirect_dma semaphore(%arg9 : memref<!tpu.dma_semaphore, #tpu.memory_space<semaphore_mem>>) src(%dma_wait3A_348 : memref<100000x128xf32, #tpu.memory_space<hbm>>) dst(%dma_wait3A_343 : memref<480x128xf32, #tpu.memory_space<vmem>>)
    %add3A_349 = arith.constant 3840 : i32
    %add3A_350 = arith.addi %mul3A_2, %add3A_349 : i32
    %dma_start3A_351 = arith.constant 0 : i32
    %dma_start3A_352 = arith.constant 0 : i32
    %dma_start3A_353 = tpu.memref_slice %arg7[%dma_start3A_351, %dma_start3A_352] : memref<480x128xf32, #tpu.memory_space<vmem>> -> memref<480x128xf32, #tpu.memory_space<vmem>>
    %dma_start3A_354 = arith.constant 0 : i32
    %dma_start3A_355 = tpu.memref_slice %arg4[%add3A_350, %dma_start3A_354] : memref<204800x128xf32, #tpu.memory_space<hbm>> -> memref<480x128xf32, #tpu.memory_space<hbm>>
    %dma_start3A_356 = arith.constant 0 : i32
    %dma_start3A_357 = tpu.memref_slice %arg4[%add3A_350, %dma_start3A_356] : memref<204800x128xf32, #tpu.memory_space<hbm>> -> memref<480x128xf32, #tpu.memory_space<hbm>>
    %dma_start3A_358 = arith.constant 0 : i32
    %dma_start3A_359 = arith.constant 0 : i32
    %dma_start3A_360 = tpu.memref_slice %arg7[%dma_start3A_358, %dma_start3A_359] : memref<480x128xf32, #tpu.memory_space<vmem>> -> memref<480x128xf32, #tpu.memory_space<vmem>>
    tpu.enqueue_dma source(%dma_start3A_360 : memref<480x128xf32, #tpu.memory_space<vmem>>) target(%dma_start3A_357 : memref<480x128xf32, #tpu.memory_space<hbm>>) target_semaphore(%arg11 : memref<!tpu.dma_semaphore, #tpu.memory_space<semaphore_mem>>)
    %dma_wait3A_361 = arith.constant 0 : i32
    %dma_wait3A_362 = arith.constant 0 : i32
    %dma_wait3A_363 = tpu.memref_slice %arg7[%dma_wait3A_361, %dma_wait3A_362] : memref<480x128xf32, #tpu.memory_space<vmem>> -> memref<480x128xf32, #tpu.memory_space<vmem>>
    %dma_wait3A_364 = arith.constant 0 : i32
    %dma_wait3A_365 = tpu.memref_slice %arg4[%add3A_350, %dma_wait3A_364] : memref<204800x128xf32, #tpu.memory_space<hbm>> -> memref<480x128xf32, #tpu.memory_space<hbm>>
    %dma_wait3A_366 = arith.constant 0 : i32
    %dma_wait3A_367 = tpu.memref_slice %arg4[%add3A_350, %dma_wait3A_366] : memref<204800x128xf32, #tpu.memory_space<hbm>> -> memref<480x128xf32, #tpu.memory_space<hbm>>
    %dma_wait3A_368 = arith.constant 0 : i32
    %dma_wait3A_369 = arith.constant 0 : i32
    %dma_wait3A_370 = tpu.memref_slice %arg7[%dma_wait3A_368, %dma_wait3A_369] : memref<480x128xf32, #tpu.memory_space<vmem>> -> memref<480x128xf32, #tpu.memory_space<vmem>>
    tpu.wait_dma2 semaphore(%arg11 : memref<!tpu.dma_semaphore, #tpu.memory_space<semaphore_mem>>) src(%dma_wait3A_370 : memref<480x128xf32, #tpu.memory_space<vmem>>) dst(%dma_wait3A_367 : memref<480x128xf32, #tpu.memory_space<hbm>>)
    %add3A_371 = arith.constant 4800 : i32
    %add3A_372 = arith.addi %mul3A_2, %add3A_371 : i32
    "tpu.region"() ({
      %run_scoped3A = tpu.sem_alloc : memref<!tpu.dma_semaphore, #tpu.memory_space<semaphore_mem>>
      %dma_start3A_561 = arith.constant 0 : i32
      %dma_start3A_562 = tpu.memref_slice %arg5[%dma_start3A_561] : memref<480xi32, #tpu.memory_space<vmem>> -> memref<480xi32, #tpu.memory_space<vmem>>
      %dma_start3A_563 = tpu.memref_slice %arg2[%add3A_372] : memref<204800xi32, #tpu.memory_space<hbm>> -> memref<480xi32, #tpu.memory_space<hbm>>
      %dma_start3A_564 = arith.constant 0 : i32
      %dma_start3A_565 = tpu.memref_slice %arg5[%dma_start3A_564] : memref<480xi32, #tpu.memory_space<vmem>> -> memref<480xi32, #tpu.memory_space<vmem>>
      %dma_start3A_566 = tpu.memref_slice %arg2[%add3A_372] : memref<204800xi32, #tpu.memory_space<hbm>> -> memref<480xi32, #tpu.memory_space<hbm>>
      tpu.enqueue_dma source(%dma_start3A_566 : memref<480xi32, #tpu.memory_space<hbm>>) target(%dma_start3A_565 : memref<480xi32, #tpu.memory_space<vmem>>) target_semaphore(%run_scoped3A : memref<!tpu.dma_semaphore, #tpu.memory_space<semaphore_mem>>)
      %dma_wait3A_567 = arith.constant 0 : i32
      %dma_wait3A_568 = tpu.memref_slice %arg5[%dma_wait3A_567] : memref<480xi32, #tpu.memory_space<vmem>> -> memref<480xi32, #tpu.memory_space<vmem>>
      %dma_wait3A_569 = tpu.memref_slice %arg2[%add3A_372] : memref<204800xi32, #tpu.memory_space<hbm>> -> memref<480xi32, #tpu.memory_space<hbm>>
      %dma_wait3A_570 = arith.constant 0 : i32
      %dma_wait3A_571 = tpu.memref_slice %arg5[%dma_wait3A_570] : memref<480xi32, #tpu.memory_space<vmem>> -> memref<480xi32, #tpu.memory_space<vmem>>
      %dma_wait3A_572 = tpu.memref_slice %arg2[%add3A_372] : memref<204800xi32, #tpu.memory_space<hbm>> -> memref<480xi32, #tpu.memory_space<hbm>>
      tpu.wait_dma2 semaphore(%run_scoped3A : memref<!tpu.dma_semaphore, #tpu.memory_space<semaphore_mem>>) src(%dma_wait3A_572 : memref<480xi32, #tpu.memory_space<hbm>>) dst(%dma_wait3A_571 : memref<480xi32, #tpu.memory_space<vmem>>)
      tpu.yield
    }) : () -> ()
    %dma_start3A_373 = arith.constant 0 : i32
    %dma_start3A_374 = arith.constant 0 : i32
    %dma_start3A_375 = tpu.memref_slice %arg7[%dma_start3A_373, %dma_start3A_374] : memref<480x128xf32, #tpu.memory_space<vmem>> -> memref<480x128xf32, #tpu.memory_space<vmem>>
    %dma_start3A_376 = arith.constant 0 : i32
    %dma_start3A_377 = tpu.memref_slice %arg5[%dma_start3A_376] : memref<480xi32, #tpu.memory_space<vmem>> -> memref<480xi32, #tpu.memory_space<vmem>>
    %dma_start3A_378 = arith.constant 0 : i32
    %dma_start3A_379 = arith.constant 0 : i32
    %dma_start3A_380 = tpu.memref_slice %arg3[%dma_start3A_378, %dma_start3A_379] : memref<100000x128xf32, #tpu.memory_space<hbm>> -> memref<100000x128xf32, #tpu.memory_space<hbm>>
    tpu.enqueue_indirect_dma source(%dma_start3A_380 : memref<100000x128xf32, #tpu.memory_space<hbm>>) target(%dma_start3A_375 : memref<480x128xf32, #tpu.memory_space<vmem>>) offsets(%dma_start3A_377 : memref<480xi32, #tpu.memory_space<vmem>>) semaphore(%arg9 : memref<!tpu.dma_semaphore, #tpu.memory_space<semaphore_mem>>)
    %dma_wait3A_381 = arith.constant 0 : i32
    %dma_wait3A_382 = arith.constant 0 : i32
    %dma_wait3A_383 = tpu.memref_slice %arg8[%dma_wait3A_381, %dma_wait3A_382] : memref<480x128xf32, #tpu.memory_space<vmem>> -> memref<480x128xf32, #tpu.memory_space<vmem>>
    %dma_wait3A_384 = arith.constant 0 : i32
    %dma_wait3A_385 = tpu.memref_slice %arg6[%dma_wait3A_384] : memref<480xi32, #tpu.memory_space<vmem>> -> memref<480xi32, #tpu.memory_space<vmem>>
    %dma_wait3A_386 = arith.constant 0 : i32
    %dma_wait3A_387 = arith.constant 0 : i32
    %dma_wait3A_388 = tpu.memref_slice %arg3[%dma_wait3A_386, %dma_wait3A_387] : memref<100000x128xf32, #tpu.memory_space<hbm>> -> memref<100000x128xf32, #tpu.memory_space<hbm>>
    tpu.wait_indirect_dma semaphore(%arg10 : memref<!tpu.dma_semaphore, #tpu.memory_space<semaphore_mem>>) src(%dma_wait3A_388 : memref<100000x128xf32, #tpu.memory_space<hbm>>) dst(%dma_wait3A_383 : memref<480x128xf32, #tpu.memory_space<vmem>>)
    %add3A_389 = arith.constant 4320 : i32
    %add3A_390 = arith.addi %mul3A_2, %add3A_389 : i32
    %dma_start3A_391 = arith.constant 0 : i32
    %dma_start3A_392 = arith.constant 0 : i32
    %dma_start3A_393 = tpu.memref_slice %arg8[%dma_start3A_391, %dma_start3A_392] : memref<480x128xf32, #tpu.memory_space<vmem>> -> memref<480x128xf32, #tpu.memory_space<vmem>>
    %dma_start3A_394 = arith.constant 0 : i32
    %dma_start3A_395 = tpu.memref_slice %arg4[%add3A_390, %dma_start3A_394] : memref<204800x128xf32, #tpu.memory_space<hbm>> -> memref<480x128xf32, #tpu.memory_space<hbm>>
    %dma_start3A_396 = arith.constant 0 : i32
    %dma_start3A_397 = tpu.memref_slice %arg4[%add3A_390, %dma_start3A_396] : memref<204800x128xf32, #tpu.memory_space<hbm>> -> memref<480x128xf32, #tpu.memory_space<hbm>>
    %dma_start3A_398 = arith.constant 0 : i32
    %dma_start3A_399 = arith.constant 0 : i32
    %dma_start3A_400 = tpu.memref_slice %arg8[%dma_start3A_398, %dma_start3A_399] : memref<480x128xf32, #tpu.memory_space<vmem>> -> memref<480x128xf32, #tpu.memory_space<vmem>>
    tpu.enqueue_dma source(%dma_start3A_400 : memref<480x128xf32, #tpu.memory_space<vmem>>) target(%dma_start3A_397 : memref<480x128xf32, #tpu.memory_space<hbm>>) target_semaphore(%arg12 : memref<!tpu.dma_semaphore, #tpu.memory_space<semaphore_mem>>)
    %dma_wait3A_401 = arith.constant 0 : i32
    %dma_wait3A_402 = arith.constant 0 : i32
    %dma_wait3A_403 = tpu.memref_slice %arg8[%dma_wait3A_401, %dma_wait3A_402] : memref<480x128xf32, #tpu.memory_space<vmem>> -> memref<480x128xf32, #tpu.memory_space<vmem>>
    %dma_wait3A_404 = arith.constant 0 : i32
    %dma_wait3A_405 = tpu.memref_slice %arg4[%add3A_390, %dma_wait3A_404] : memref<204800x128xf32, #tpu.memory_space<hbm>> -> memref<480x128xf32, #tpu.memory_space<hbm>>
    %dma_wait3A_406 = arith.constant 0 : i32
    %dma_wait3A_407 = tpu.memref_slice %arg4[%add3A_390, %dma_wait3A_406] : memref<204800x128xf32, #tpu.memory_space<hbm>> -> memref<480x128xf32, #tpu.memory_space<hbm>>
    %dma_wait3A_408 = arith.constant 0 : i32
    %dma_wait3A_409 = arith.constant 0 : i32
    %dma_wait3A_410 = tpu.memref_slice %arg8[%dma_wait3A_408, %dma_wait3A_409] : memref<480x128xf32, #tpu.memory_space<vmem>> -> memref<480x128xf32, #tpu.memory_space<vmem>>
    tpu.wait_dma2 semaphore(%arg12 : memref<!tpu.dma_semaphore, #tpu.memory_space<semaphore_mem>>) src(%dma_wait3A_410 : memref<480x128xf32, #tpu.memory_space<vmem>>) dst(%dma_wait3A_407 : memref<480x128xf32, #tpu.memory_space<hbm>>)
    %add3A_411 = arith.constant 5280 : i32
    %add3A_412 = arith.addi %mul3A_2, %add3A_411 : i32
    "tpu.region"() ({
      %run_scoped3A = tpu.sem_alloc : memref<!tpu.dma_semaphore, #tpu.memory_space<semaphore_mem>>
      %dma_start3A_561 = arith.constant 0 : i32
      %dma_start3A_562 = tpu.memref_slice %arg6[%dma_start3A_561] : memref<480xi32, #tpu.memory_space<vmem>> -> memref<480xi32, #tpu.memory_space<vmem>>
      %dma_start3A_563 = tpu.memref_slice %arg2[%add3A_412] : memref<204800xi32, #tpu.memory_space<hbm>> -> memref<480xi32, #tpu.memory_space<hbm>>
      %dma_start3A_564 = arith.constant 0 : i32
      %dma_start3A_565 = tpu.memref_slice %arg6[%dma_start3A_564] : memref<480xi32, #tpu.memory_space<vmem>> -> memref<480xi32, #tpu.memory_space<vmem>>
      %dma_start3A_566 = tpu.memref_slice %arg2[%add3A_412] : memref<204800xi32, #tpu.memory_space<hbm>> -> memref<480xi32, #tpu.memory_space<hbm>>
      tpu.enqueue_dma source(%dma_start3A_566 : memref<480xi32, #tpu.memory_space<hbm>>) target(%dma_start3A_565 : memref<480xi32, #tpu.memory_space<vmem>>) target_semaphore(%run_scoped3A : memref<!tpu.dma_semaphore, #tpu.memory_space<semaphore_mem>>)
      %dma_wait3A_567 = arith.constant 0 : i32
      %dma_wait3A_568 = tpu.memref_slice %arg6[%dma_wait3A_567] : memref<480xi32, #tpu.memory_space<vmem>> -> memref<480xi32, #tpu.memory_space<vmem>>
      %dma_wait3A_569 = tpu.memref_slice %arg2[%add3A_412] : memref<204800xi32, #tpu.memory_space<hbm>> -> memref<480xi32, #tpu.memory_space<hbm>>
      %dma_wait3A_570 = arith.constant 0 : i32
      %dma_wait3A_571 = tpu.memref_slice %arg6[%dma_wait3A_570] : memref<480xi32, #tpu.memory_space<vmem>> -> memref<480xi32, #tpu.memory_space<vmem>>
      %dma_wait3A_572 = tpu.memref_slice %arg2[%add3A_412] : memref<204800xi32, #tpu.memory_space<hbm>> -> memref<480xi32, #tpu.memory_space<hbm>>
      tpu.wait_dma2 semaphore(%run_scoped3A : memref<!tpu.dma_semaphore, #tpu.memory_space<semaphore_mem>>) src(%dma_wait3A_572 : memref<480xi32, #tpu.memory_space<hbm>>) dst(%dma_wait3A_571 : memref<480xi32, #tpu.memory_space<vmem>>)
      tpu.yield
    }) : () -> ()
    %dma_start3A_413 = arith.constant 0 : i32
    %dma_start3A_414 = arith.constant 0 : i32
    %dma_start3A_415 = tpu.memref_slice %arg8[%dma_start3A_413, %dma_start3A_414] : memref<480x128xf32, #tpu.memory_space<vmem>> -> memref<480x128xf32, #tpu.memory_space<vmem>>
    %dma_start3A_416 = arith.constant 0 : i32
    %dma_start3A_417 = tpu.memref_slice %arg6[%dma_start3A_416] : memref<480xi32, #tpu.memory_space<vmem>> -> memref<480xi32, #tpu.memory_space<vmem>>
    %dma_start3A_418 = arith.constant 0 : i32
    %dma_start3A_419 = arith.constant 0 : i32
    %dma_start3A_420 = tpu.memref_slice %arg3[%dma_start3A_418, %dma_start3A_419] : memref<100000x128xf32, #tpu.memory_space<hbm>> -> memref<100000x128xf32, #tpu.memory_space<hbm>>
    tpu.enqueue_indirect_dma source(%dma_start3A_420 : memref<100000x128xf32, #tpu.memory_space<hbm>>) target(%dma_start3A_415 : memref<480x128xf32, #tpu.memory_space<vmem>>) offsets(%dma_start3A_417 : memref<480xi32, #tpu.memory_space<vmem>>) semaphore(%arg10 : memref<!tpu.dma_semaphore, #tpu.memory_space<semaphore_mem>>)
    %dma_wait3A_421 = arith.constant 0 : i32
    %dma_wait3A_422 = arith.constant 0 : i32
    %dma_wait3A_423 = tpu.memref_slice %arg7[%dma_wait3A_421, %dma_wait3A_422] : memref<480x128xf32, #tpu.memory_space<vmem>> -> memref<480x128xf32, #tpu.memory_space<vmem>>
    %dma_wait3A_424 = arith.constant 0 : i32
    %dma_wait3A_425 = tpu.memref_slice %arg5[%dma_wait3A_424] : memref<480xi32, #tpu.memory_space<vmem>> -> memref<480xi32, #tpu.memory_space<vmem>>
    %dma_wait3A_426 = arith.constant 0 : i32
    %dma_wait3A_427 = arith.constant 0 : i32
    %dma_wait3A_428 = tpu.memref_slice %arg3[%dma_wait3A_426, %dma_wait3A_427] : memref<100000x128xf32, #tpu.memory_space<hbm>> -> memref<100000x128xf32, #tpu.memory_space<hbm>>
    tpu.wait_indirect_dma semaphore(%arg9 : memref<!tpu.dma_semaphore, #tpu.memory_space<semaphore_mem>>) src(%dma_wait3A_428 : memref<100000x128xf32, #tpu.memory_space<hbm>>) dst(%dma_wait3A_423 : memref<480x128xf32, #tpu.memory_space<vmem>>)
    %add3A_429 = arith.constant 4800 : i32
    %add3A_430 = arith.addi %mul3A_2, %add3A_429 : i32
    %dma_start3A_431 = arith.constant 0 : i32
    %dma_start3A_432 = arith.constant 0 : i32
    %dma_start3A_433 = tpu.memref_slice %arg7[%dma_start3A_431, %dma_start3A_432] : memref<480x128xf32, #tpu.memory_space<vmem>> -> memref<480x128xf32, #tpu.memory_space<vmem>>
    %dma_start3A_434 = arith.constant 0 : i32
    %dma_start3A_435 = tpu.memref_slice %arg4[%add3A_430, %dma_start3A_434] : memref<204800x128xf32, #tpu.memory_space<hbm>> -> memref<480x128xf32, #tpu.memory_space<hbm>>
    %dma_start3A_436 = arith.constant 0 : i32
    %dma_start3A_437 = tpu.memref_slice %arg4[%add3A_430, %dma_start3A_436] : memref<204800x128xf32, #tpu.memory_space<hbm>> -> memref<480x128xf32, #tpu.memory_space<hbm>>
    %dma_start3A_438 = arith.constant 0 : i32
    %dma_start3A_439 = arith.constant 0 : i32
    %dma_start3A_440 = tpu.memref_slice %arg7[%dma_start3A_438, %dma_start3A_439] : memref<480x128xf32, #tpu.memory_space<vmem>> -> memref<480x128xf32, #tpu.memory_space<vmem>>
    tpu.enqueue_dma source(%dma_start3A_440 : memref<480x128xf32, #tpu.memory_space<vmem>>) target(%dma_start3A_437 : memref<480x128xf32, #tpu.memory_space<hbm>>) target_semaphore(%arg11 : memref<!tpu.dma_semaphore, #tpu.memory_space<semaphore_mem>>)
    %dma_wait3A_441 = arith.constant 0 : i32
    %dma_wait3A_442 = arith.constant 0 : i32
    %dma_wait3A_443 = tpu.memref_slice %arg7[%dma_wait3A_441, %dma_wait3A_442] : memref<480x128xf32, #tpu.memory_space<vmem>> -> memref<480x128xf32, #tpu.memory_space<vmem>>
    %dma_wait3A_444 = arith.constant 0 : i32
    %dma_wait3A_445 = tpu.memref_slice %arg4[%add3A_430, %dma_wait3A_444] : memref<204800x128xf32, #tpu.memory_space<hbm>> -> memref<480x128xf32, #tpu.memory_space<hbm>>
    %dma_wait3A_446 = arith.constant 0 : i32
    %dma_wait3A_447 = tpu.memref_slice %arg4[%add3A_430, %dma_wait3A_446] : memref<204800x128xf32, #tpu.memory_space<hbm>> -> memref<480x128xf32, #tpu.memory_space<hbm>>
    %dma_wait3A_448 = arith.constant 0 : i32
    %dma_wait3A_449 = arith.constant 0 : i32
    %dma_wait3A_450 = tpu.memref_slice %arg7[%dma_wait3A_448, %dma_wait3A_449] : memref<480x128xf32, #tpu.memory_space<vmem>> -> memref<480x128xf32, #tpu.memory_space<vmem>>
    tpu.wait_dma2 semaphore(%arg11 : memref<!tpu.dma_semaphore, #tpu.memory_space<semaphore_mem>>) src(%dma_wait3A_450 : memref<480x128xf32, #tpu.memory_space<vmem>>) dst(%dma_wait3A_447 : memref<480x128xf32, #tpu.memory_space<hbm>>)
    %add3A_451 = arith.constant 5760 : i32
    %add3A_452 = arith.addi %mul3A_2, %add3A_451 : i32
    "tpu.region"() ({
      %run_scoped3A = tpu.sem_alloc : memref<!tpu.dma_semaphore, #tpu.memory_space<semaphore_mem>>
      %dma_start3A_561 = arith.constant 0 : i32
      %dma_start3A_562 = tpu.memref_slice %arg5[%dma_start3A_561] : memref<480xi32, #tpu.memory_space<vmem>> -> memref<480xi32, #tpu.memory_space<vmem>>
      %dma_start3A_563 = tpu.memref_slice %arg2[%add3A_452] : memref<204800xi32, #tpu.memory_space<hbm>> -> memref<480xi32, #tpu.memory_space<hbm>>
      %dma_start3A_564 = arith.constant 0 : i32
      %dma_start3A_565 = tpu.memref_slice %arg5[%dma_start3A_564] : memref<480xi32, #tpu.memory_space<vmem>> -> memref<480xi32, #tpu.memory_space<vmem>>
      %dma_start3A_566 = tpu.memref_slice %arg2[%add3A_452] : memref<204800xi32, #tpu.memory_space<hbm>> -> memref<480xi32, #tpu.memory_space<hbm>>
      tpu.enqueue_dma source(%dma_start3A_566 : memref<480xi32, #tpu.memory_space<hbm>>) target(%dma_start3A_565 : memref<480xi32, #tpu.memory_space<vmem>>) target_semaphore(%run_scoped3A : memref<!tpu.dma_semaphore, #tpu.memory_space<semaphore_mem>>)
      %dma_wait3A_567 = arith.constant 0 : i32
      %dma_wait3A_568 = tpu.memref_slice %arg5[%dma_wait3A_567] : memref<480xi32, #tpu.memory_space<vmem>> -> memref<480xi32, #tpu.memory_space<vmem>>
      %dma_wait3A_569 = tpu.memref_slice %arg2[%add3A_452] : memref<204800xi32, #tpu.memory_space<hbm>> -> memref<480xi32, #tpu.memory_space<hbm>>
      %dma_wait3A_570 = arith.constant 0 : i32
      %dma_wait3A_571 = tpu.memref_slice %arg5[%dma_wait3A_570] : memref<480xi32, #tpu.memory_space<vmem>> -> memref<480xi32, #tpu.memory_space<vmem>>
      %dma_wait3A_572 = tpu.memref_slice %arg2[%add3A_452] : memref<204800xi32, #tpu.memory_space<hbm>> -> memref<480xi32, #tpu.memory_space<hbm>>
      tpu.wait_dma2 semaphore(%run_scoped3A : memref<!tpu.dma_semaphore, #tpu.memory_space<semaphore_mem>>) src(%dma_wait3A_572 : memref<480xi32, #tpu.memory_space<hbm>>) dst(%dma_wait3A_571 : memref<480xi32, #tpu.memory_space<vmem>>)
      tpu.yield
    }) : () -> ()
    %dma_start3A_453 = arith.constant 0 : i32
    %dma_start3A_454 = arith.constant 0 : i32
    %dma_start3A_455 = tpu.memref_slice %arg7[%dma_start3A_453, %dma_start3A_454] : memref<480x128xf32, #tpu.memory_space<vmem>> -> memref<480x128xf32, #tpu.memory_space<vmem>>
    %dma_start3A_456 = arith.constant 0 : i32
    %dma_start3A_457 = tpu.memref_slice %arg5[%dma_start3A_456] : memref<480xi32, #tpu.memory_space<vmem>> -> memref<480xi32, #tpu.memory_space<vmem>>
    %dma_start3A_458 = arith.constant 0 : i32
    %dma_start3A_459 = arith.constant 0 : i32
    %dma_start3A_460 = tpu.memref_slice %arg3[%dma_start3A_458, %dma_start3A_459] : memref<100000x128xf32, #tpu.memory_space<hbm>> -> memref<100000x128xf32, #tpu.memory_space<hbm>>
    tpu.enqueue_indirect_dma source(%dma_start3A_460 : memref<100000x128xf32, #tpu.memory_space<hbm>>) target(%dma_start3A_455 : memref<480x128xf32, #tpu.memory_space<vmem>>) offsets(%dma_start3A_457 : memref<480xi32, #tpu.memory_space<vmem>>) semaphore(%arg9 : memref<!tpu.dma_semaphore, #tpu.memory_space<semaphore_mem>>)
    %dma_wait3A_461 = arith.constant 0 : i32
    %dma_wait3A_462 = arith.constant 0 : i32
    %dma_wait3A_463 = tpu.memref_slice %arg8[%dma_wait3A_461, %dma_wait3A_462] : memref<480x128xf32, #tpu.memory_space<vmem>> -> memref<480x128xf32, #tpu.memory_space<vmem>>
    %dma_wait3A_464 = arith.constant 0 : i32
    %dma_wait3A_465 = tpu.memref_slice %arg6[%dma_wait3A_464] : memref<480xi32, #tpu.memory_space<vmem>> -> memref<480xi32, #tpu.memory_space<vmem>>
    %dma_wait3A_466 = arith.constant 0 : i32
    %dma_wait3A_467 = arith.constant 0 : i32
    %dma_wait3A_468 = tpu.memref_slice %arg3[%dma_wait3A_466, %dma_wait3A_467] : memref<100000x128xf32, #tpu.memory_space<hbm>> -> memref<100000x128xf32, #tpu.memory_space<hbm>>
    tpu.wait_indirect_dma semaphore(%arg10 : memref<!tpu.dma_semaphore, #tpu.memory_space<semaphore_mem>>) src(%dma_wait3A_468 : memref<100000x128xf32, #tpu.memory_space<hbm>>) dst(%dma_wait3A_463 : memref<480x128xf32, #tpu.memory_space<vmem>>)
    %add3A_469 = arith.constant 5280 : i32
    %add3A_470 = arith.addi %mul3A_2, %add3A_469 : i32
    %dma_start3A_471 = arith.constant 0 : i32
    %dma_start3A_472 = arith.constant 0 : i32
    %dma_start3A_473 = tpu.memref_slice %arg8[%dma_start3A_471, %dma_start3A_472] : memref<480x128xf32, #tpu.memory_space<vmem>> -> memref<480x128xf32, #tpu.memory_space<vmem>>
    %dma_start3A_474 = arith.constant 0 : i32
    %dma_start3A_475 = tpu.memref_slice %arg4[%add3A_470, %dma_start3A_474] : memref<204800x128xf32, #tpu.memory_space<hbm>> -> memref<480x128xf32, #tpu.memory_space<hbm>>
    %dma_start3A_476 = arith.constant 0 : i32
    %dma_start3A_477 = tpu.memref_slice %arg4[%add3A_470, %dma_start3A_476] : memref<204800x128xf32, #tpu.memory_space<hbm>> -> memref<480x128xf32, #tpu.memory_space<hbm>>
    %dma_start3A_478 = arith.constant 0 : i32
    %dma_start3A_479 = arith.constant 0 : i32
    %dma_start3A_480 = tpu.memref_slice %arg8[%dma_start3A_478, %dma_start3A_479] : memref<480x128xf32, #tpu.memory_space<vmem>> -> memref<480x128xf32, #tpu.memory_space<vmem>>
    tpu.enqueue_dma source(%dma_start3A_480 : memref<480x128xf32, #tpu.memory_space<vmem>>) target(%dma_start3A_477 : memref<480x128xf32, #tpu.memory_space<hbm>>) target_semaphore(%arg12 : memref<!tpu.dma_semaphore, #tpu.memory_space<semaphore_mem>>)
    %dma_wait3A_481 = arith.constant 0 : i32
    %dma_wait3A_482 = arith.constant 0 : i32
    %dma_wait3A_483 = tpu.memref_slice %arg8[%dma_wait3A_481, %dma_wait3A_482] : memref<480x128xf32, #tpu.memory_space<vmem>> -> memref<480x128xf32, #tpu.memory_space<vmem>>
    %dma_wait3A_484 = arith.constant 0 : i32
    %dma_wait3A_485 = tpu.memref_slice %arg4[%add3A_470, %dma_wait3A_484] : memref<204800x128xf32, #tpu.memory_space<hbm>> -> memref<480x128xf32, #tpu.memory_space<hbm>>
    %dma_wait3A_486 = arith.constant 0 : i32
    %dma_wait3A_487 = tpu.memref_slice %arg4[%add3A_470, %dma_wait3A_486] : memref<204800x128xf32, #tpu.memory_space<hbm>> -> memref<480x128xf32, #tpu.memory_space<hbm>>
    %dma_wait3A_488 = arith.constant 0 : i32
    %dma_wait3A_489 = arith.constant 0 : i32
    %dma_wait3A_490 = tpu.memref_slice %arg8[%dma_wait3A_488, %dma_wait3A_489] : memref<480x128xf32, #tpu.memory_space<vmem>> -> memref<480x128xf32, #tpu.memory_space<vmem>>
    tpu.wait_dma2 semaphore(%arg12 : memref<!tpu.dma_semaphore, #tpu.memory_space<semaphore_mem>>) src(%dma_wait3A_490 : memref<480x128xf32, #tpu.memory_space<vmem>>) dst(%dma_wait3A_487 : memref<480x128xf32, #tpu.memory_space<hbm>>)
    %add3A_491 = arith.constant 6240 : i32
    %add3A_492 = arith.addi %mul3A_2, %add3A_491 : i32
    "tpu.region"() ({
      %run_scoped3A = tpu.sem_alloc : memref<!tpu.dma_semaphore, #tpu.memory_space<semaphore_mem>>
      %dma_start3A_561 = arith.constant 0 : i32
      %dma_start3A_562 = tpu.memref_slice %arg6[%dma_start3A_561] : memref<480xi32, #tpu.memory_space<vmem>> -> memref<160xi32, #tpu.memory_space<vmem>>
      %dma_start3A_563 = tpu.memref_slice %arg2[%add3A_492] : memref<204800xi32, #tpu.memory_space<hbm>> -> memref<160xi32, #tpu.memory_space<hbm>>
      %dma_start3A_564 = arith.constant 0 : i32
      %dma_start3A_565 = tpu.memref_slice %arg6[%dma_start3A_564] : memref<480xi32, #tpu.memory_space<vmem>> -> memref<160xi32, #tpu.memory_space<vmem>>
      %dma_start3A_566 = tpu.memref_slice %arg2[%add3A_492] : memref<204800xi32, #tpu.memory_space<hbm>> -> memref<160xi32, #tpu.memory_space<hbm>>
      tpu.enqueue_dma source(%dma_start3A_566 : memref<160xi32, #tpu.memory_space<hbm>>) target(%dma_start3A_565 : memref<160xi32, #tpu.memory_space<vmem>>) target_semaphore(%run_scoped3A : memref<!tpu.dma_semaphore, #tpu.memory_space<semaphore_mem>>)
      %dma_wait3A_567 = arith.constant 0 : i32
      %dma_wait3A_568 = tpu.memref_slice %arg6[%dma_wait3A_567] : memref<480xi32, #tpu.memory_space<vmem>> -> memref<160xi32, #tpu.memory_space<vmem>>
      %dma_wait3A_569 = tpu.memref_slice %arg2[%add3A_492] : memref<204800xi32, #tpu.memory_space<hbm>> -> memref<160xi32, #tpu.memory_space<hbm>>
      %dma_wait3A_570 = arith.constant 0 : i32
      %dma_wait3A_571 = tpu.memref_slice %arg6[%dma_wait3A_570] : memref<480xi32, #tpu.memory_space<vmem>> -> memref<160xi32, #tpu.memory_space<vmem>>
      %dma_wait3A_572 = tpu.memref_slice %arg2[%add3A_492] : memref<204800xi32, #tpu.memory_space<hbm>> -> memref<160xi32, #tpu.memory_space<hbm>>
      tpu.wait_dma2 semaphore(%run_scoped3A : memref<!tpu.dma_semaphore, #tpu.memory_space<semaphore_mem>>) src(%dma_wait3A_572 : memref<160xi32, #tpu.memory_space<hbm>>) dst(%dma_wait3A_571 : memref<160xi32, #tpu.memory_space<vmem>>)
      tpu.yield
    }) : () -> ()
    %dma_start3A_493 = arith.constant 0 : i32
    %dma_start3A_494 = arith.constant 0 : i32
    %dma_start3A_495 = tpu.memref_slice %arg8[%dma_start3A_493, %dma_start3A_494] : memref<480x128xf32, #tpu.memory_space<vmem>> -> memref<160x128xf32, #tpu.memory_space<vmem>>
    %dma_start3A_496 = arith.constant 0 : i32
    %dma_start3A_497 = tpu.memref_slice %arg6[%dma_start3A_496] : memref<480xi32, #tpu.memory_space<vmem>> -> memref<160xi32, #tpu.memory_space<vmem>>
    %dma_start3A_498 = arith.constant 0 : i32
    %dma_start3A_499 = arith.constant 0 : i32
    %dma_start3A_500 = tpu.memref_slice %arg3[%dma_start3A_498, %dma_start3A_499] : memref<100000x128xf32, #tpu.memory_space<hbm>> -> memref<100000x128xf32, #tpu.memory_space<hbm>>
    tpu.enqueue_indirect_dma source(%dma_start3A_500 : memref<100000x128xf32, #tpu.memory_space<hbm>>) target(%dma_start3A_495 : memref<160x128xf32, #tpu.memory_space<vmem>>) offsets(%dma_start3A_497 : memref<160xi32, #tpu.memory_space<vmem>>) semaphore(%arg10 : memref<!tpu.dma_semaphore, #tpu.memory_space<semaphore_mem>>)
    %dma_wait3A_501 = arith.constant 0 : i32
    %dma_wait3A_502 = arith.constant 0 : i32
    %dma_wait3A_503 = tpu.memref_slice %arg7[%dma_wait3A_501, %dma_wait3A_502] : memref<480x128xf32, #tpu.memory_space<vmem>> -> memref<480x128xf32, #tpu.memory_space<vmem>>
    %dma_wait3A_504 = arith.constant 0 : i32
    %dma_wait3A_505 = tpu.memref_slice %arg5[%dma_wait3A_504] : memref<480xi32, #tpu.memory_space<vmem>> -> memref<480xi32, #tpu.memory_space<vmem>>
    %dma_wait3A_506 = arith.constant 0 : i32
    %dma_wait3A_507 = arith.constant 0 : i32
    %dma_wait3A_508 = tpu.memref_slice %arg3[%dma_wait3A_506, %dma_wait3A_507] : memref<100000x128xf32, #tpu.memory_space<hbm>> -> memref<100000x128xf32, #tpu.memory_space<hbm>>
    tpu.wait_indirect_dma semaphore(%arg9 : memref<!tpu.dma_semaphore, #tpu.memory_space<semaphore_mem>>) src(%dma_wait3A_508 : memref<100000x128xf32, #tpu.memory_space<hbm>>) dst(%dma_wait3A_503 : memref<480x128xf32, #tpu.memory_space<vmem>>)
    %add3A_509 = arith.constant 5760 : i32
    %add3A_510 = arith.addi %mul3A_2, %add3A_509 : i32
    %dma_start3A_511 = arith.constant 0 : i32
    %dma_start3A_512 = arith.constant 0 : i32
    %dma_start3A_513 = tpu.memref_slice %arg7[%dma_start3A_511, %dma_start3A_512] : memref<480x128xf32, #tpu.memory_space<vmem>> -> memref<480x128xf32, #tpu.memory_space<vmem>>
    %dma_start3A_514 = arith.constant 0 : i32
    %dma_start3A_515 = tpu.memref_slice %arg4[%add3A_510, %dma_start3A_514] : memref<204800x128xf32, #tpu.memory_space<hbm>> -> memref<480x128xf32, #tpu.memory_space<hbm>>
    %dma_start3A_516 = arith.constant 0 : i32
    %dma_start3A_517 = tpu.memref_slice %arg4[%add3A_510, %dma_start3A_516] : memref<204800x128xf32, #tpu.memory_space<hbm>> -> memref<480x128xf32, #tpu.memory_space<hbm>>
    %dma_start3A_518 = arith.constant 0 : i32
    %dma_start3A_519 = arith.constant 0 : i32
    %dma_start3A_520 = tpu.memref_slice %arg7[%dma_start3A_518, %dma_start3A_519] : memref<480x128xf32, #tpu.memory_space<vmem>> -> memref<480x128xf32, #tpu.memory_space<vmem>>
    tpu.enqueue_dma source(%dma_start3A_520 : memref<480x128xf32, #tpu.memory_space<vmem>>) target(%dma_start3A_517 : memref<480x128xf32, #tpu.memory_space<hbm>>) target_semaphore(%arg11 : memref<!tpu.dma_semaphore, #tpu.memory_space<semaphore_mem>>)
    %dma_wait3A_521 = arith.constant 0 : i32
    %dma_wait3A_522 = arith.constant 0 : i32
    %dma_wait3A_523 = tpu.memref_slice %arg8[%dma_wait3A_521, %dma_wait3A_522] : memref<480x128xf32, #tpu.memory_space<vmem>> -> memref<160x128xf32, #tpu.memory_space<vmem>>
    %dma_wait3A_524 = arith.constant 0 : i32
    %dma_wait3A_525 = tpu.memref_slice %arg6[%dma_wait3A_524] : memref<480xi32, #tpu.memory_space<vmem>> -> memref<160xi32, #tpu.memory_space<vmem>>
    %dma_wait3A_526 = arith.constant 0 : i32
    %dma_wait3A_527 = arith.constant 0 : i32
    %dma_wait3A_528 = tpu.memref_slice %arg3[%dma_wait3A_526, %dma_wait3A_527] : memref<100000x128xf32, #tpu.memory_space<hbm>> -> memref<100000x128xf32, #tpu.memory_space<hbm>>
    tpu.wait_indirect_dma semaphore(%arg10 : memref<!tpu.dma_semaphore, #tpu.memory_space<semaphore_mem>>) src(%dma_wait3A_528 : memref<100000x128xf32, #tpu.memory_space<hbm>>) dst(%dma_wait3A_523 : memref<160x128xf32, #tpu.memory_space<vmem>>)
    %add3A_529 = arith.constant 6240 : i32
    %add3A_530 = arith.addi %mul3A_2, %add3A_529 : i32
    %dma_start3A_531 = arith.constant 0 : i32
    %dma_start3A_532 = arith.constant 0 : i32
    %dma_start3A_533 = tpu.memref_slice %arg8[%dma_start3A_531, %dma_start3A_532] : memref<480x128xf32, #tpu.memory_space<vmem>> -> memref<160x128xf32, #tpu.memory_space<vmem>>
    %dma_start3A_534 = arith.constant 0 : i32
    %dma_start3A_535 = tpu.memref_slice %arg4[%add3A_530, %dma_start3A_534] : memref<204800x128xf32, #tpu.memory_space<hbm>> -> memref<160x128xf32, #tpu.memory_space<hbm>>
    %dma_start3A_536 = arith.constant 0 : i32
    %dma_start3A_537 = tpu.memref_slice %arg4[%add3A_530, %dma_start3A_536] : memref<204800x128xf32, #tpu.memory_space<hbm>> -> memref<160x128xf32, #tpu.memory_space<hbm>>
    %dma_start3A_538 = arith.constant 0 : i32
    %dma_start3A_539 = arith.constant 0 : i32
    %dma_start3A_540 = tpu.memref_slice %arg8[%dma_start3A_538, %dma_start3A_539] : memref<480x128xf32, #tpu.memory_space<vmem>> -> memref<160x128xf32, #tpu.memory_space<vmem>>
    tpu.enqueue_dma source(%dma_start3A_540 : memref<160x128xf32, #tpu.memory_space<vmem>>) target(%dma_start3A_537 : memref<160x128xf32, #tpu.memory_space<hbm>>) target_semaphore(%arg12 : memref<!tpu.dma_semaphore, #tpu.memory_space<semaphore_mem>>)
    %dma_wait3A_541 = arith.constant 0 : i32
    %dma_wait3A_542 = arith.constant 0 : i32
    %dma_wait3A_543 = tpu.memref_slice %arg7[%dma_wait3A_541, %dma_wait3A_542] : memref<480x128xf32, #tpu.memory_space<vmem>> -> memref<480x128xf32, #tpu.memory_space<vmem>>
    %dma_wait3A_544 = arith.constant 0 : i32
    %dma_wait3A_545 = tpu.memref_slice %arg4[%add3A_510, %dma_wait3A_544] : memref<204800x128xf32, #tpu.memory_space<hbm>> -> memref<480x128xf32, #tpu.memory_space<hbm>>
    %dma_wait3A_546 = arith.constant 0 : i32
    %dma_wait3A_547 = tpu.memref_slice %arg4[%add3A_510, %dma_wait3A_546] : memref<204800x128xf32, #tpu.memory_space<hbm>> -> memref<480x128xf32, #tpu.memory_space<hbm>>
    %dma_wait3A_548 = arith.constant 0 : i32
    %dma_wait3A_549 = arith.constant 0 : i32
    %dma_wait3A_550 = tpu.memref_slice %arg7[%dma_wait3A_548, %dma_wait3A_549] : memref<480x128xf32, #tpu.memory_space<vmem>> -> memref<480x128xf32, #tpu.memory_space<vmem>>
    tpu.wait_dma2 semaphore(%arg11 : memref<!tpu.dma_semaphore, #tpu.memory_space<semaphore_mem>>) src(%dma_wait3A_550 : memref<480x128xf32, #tpu.memory_space<vmem>>) dst(%dma_wait3A_547 : memref<480x128xf32, #tpu.memory_space<hbm>>)
    %dma_wait3A_551 = arith.constant 0 : i32
    %dma_wait3A_552 = arith.constant 0 : i32
    %dma_wait3A_553 = tpu.memref_slice %arg8[%dma_wait3A_551, %dma_wait3A_552] : memref<480x128xf32, #tpu.memory_space<vmem>> -> memref<160x128xf32, #tpu.memory_space<vmem>>
    %dma_wait3A_554 = arith.constant 0 : i32
    %dma_wait3A_555 = tpu.memref_slice %arg4[%add3A_530, %dma_wait3A_554] : memref<204800x128xf32, #tpu.memory_space<hbm>> -> memref<160x128xf32, #tpu.memory_space<hbm>>
    %dma_wait3A_556 = arith.constant 0 : i32
    %dma_wait3A_557 = tpu.memref_slice %arg4[%add3A_530, %dma_wait3A_556] : memref<204800x128xf32, #tpu.memory_space<hbm>> -> memref<160x128xf32, #tpu.memory_space<hbm>>
    %dma_wait3A_558 = arith.constant 0 : i32
    %dma_wait3A_559 = arith.constant 0 : i32
    %dma_wait3A_560 = tpu.memref_slice %arg8[%dma_wait3A_558, %dma_wait3A_559] : memref<480x128xf32, #tpu.memory_space<vmem>> -> memref<160x128xf32, #tpu.memory_space<vmem>>
    tpu.wait_dma2 semaphore(%arg12 : memref<!tpu.dma_semaphore, #tpu.memory_space<semaphore_mem>>) src(%dma_wait3A_560 : memref<160x128xf32, #tpu.memory_space<vmem>>) dst(%dma_wait3A_557 : memref<160x128xf32, #tpu.memory_space<hbm>>)
    return
  }
}

</mosaic_0001>

<sc_bundles>
// kernel: kernel.3.cloned.1.call-start
scs
__scs_entry_jumppad:
0x0: {  	(pc) =	sbr.rel $0x88, $3  }
0x1: {  	(tag) =	ssettag $0x0;
	lr =	simm.s32 $0x1  }
0x2: {  	[smem:$0x3F9F] =	sst lr;
	_ =	strace $0xD0000000  }
0x3: {  	_ = 	snop  }
0x4: {  	_ = 	snop  }
0x5: {  	_ = 	snop  }
0x6: {  	_ = 	snop  }
0x7: {  	_ = 	snop  }
__scs_overlays_trampoline_lowered:
0x8: {  	[smem:$0x3FAE] =	sst s0  }
0x9: {  	[smem:$0x3FAF] =	sst s1  }
0xa: {  	[smem:$0x3FB0] =	sst s2  }
0xb: {  	[smem:$0x3FB1] =	sst s3  }
0xc: {  	[smem:$0x3FB2] =	sst s4  }
0xd: {  	[smem:$0x3FB3] =	sst s5  }
0xe: {  	[smem:$0x3FB4] =	sst s6  }
0xf: {  	[smem:$0x3FB5] =	sst s7  }
0x10: {  	[smem:$0x3FB6] =	sst s8  }
0x11: {  	[smem:$0x3FB7] =	sst s9;
	s0 =	simm.s32 @!p0 $0x0  }
0x12: {  	s1 =	sld [smem:$0x3F9D];
	s0 =	simm.s32 @p0 $0x1  }
0x13: {  	[smem:$0x3FB8] =	sst s0;
	s0 =	simm.s32 @!p1 $0x0  }
0x14: {  	s2 =	sld [smem:$0x3F9C];
	s0 =	simm.s32 @p1 $0x1  }
0x15: {  	[smem:$0x3FB9] =	sst s0;
	s0 =	simm.s32 @!p2 $0x0  }
0x16: {  	s3 =	sld [smem:$0x3FDB];
	s0 =	simm.s32 @p2 $0x1  }
0x17: {  	s4 =	simm.s32 $0x1BF5;
	[smem:$0x3FBB] =	sst s0  }
0x18: {  	s0 =	sld [smem:$0x3F9E];
	_ =	swait.ge [sflag:s4], $0x0  }
0x19: {  	s7 =	sld [smem:$0x3F9F]  }
0x1a: {  	s8 =	sadd.s32 $0xFFFFE003, lr  }
0x1b: {  	s9 =	sadd.s32 $0xFFFFFEF7, lr;
	s5 =	simm.s32 $0xFFFFFFFF;
	p2 =	slt.u32 s8, $0xFFFFF086  }
0x1c: {  	p1 =	slt.u32 s9, $0xF7A;
	s5 =	simm.s32 @!p2 $0x0  }
0x1d: {  	s5 =	simm.s32 @p1 $0x1;
	p0 =	seq.s32 s7, s2  }
0x1e: {  	s7 =	smul.u32 @!p0 $0xF7A, s2;
	p2 =	seq.s32 @!p0 s5, $0x0  }
0x1f: {  	s9 =	smul.u32 $0xF7A, s1;
	s8 =	simm.s32 @!p0 $0x1BF5;
	p2 =	por !p2, p0  }
0x20: {  	[sflag:s8] =	ssyncset.s32 @!p0 $0xFFFFF086;
	s6 =	sadd.s32 @!p0 s3, s7;
	s7 =	simm.s32 @!p0 $0x108  }
0x21: {  	s3 =	sadd.s32 s3, s9;
	s6 =	sadd.s32 @!p0 $0x88, s6;
	s7 =	simm.s32 @p2 $0x1082  }
0x22: {  	[simem:s7], [sflag:s8] =	dma.local @!p0 [hbm:s6], $0xF7A  }
0x23: {  	s9 =	sor.u32 $0xD0000000, s2;
	s6 =	simm.s32 $0x108;
	_ =	swait.ge @!p0 [sflag:s8], $0x0  }
0x24: {  	s3 =	sadd.s32 $0x88, s3;
	s6 =	simm.s32 @!p1 $0x1082;
	[sflag:s4] =	ssyncset.s32 $0xFFFFF086  }
0x25: {  	[simem:s6], [sflag:s4] =	dma.local [hbm:s3], $0xF7A  }
0x26: {  	[smem:$0x3F9F] =	sst s1;
	(tag) =	ssettag s2;
	_ =	strace s9  }
0x27: {  	s1 =	sld [smem:$0x3FAF]  }
0x28: {  	s2 =	sld [smem:$0x3FB0]  }
0x29: {  	s4 =	sld [smem:$0x3FB2]  }
0x2a: {  	p0 =	seq.s32 s5, $0x0;
	s5 =	sld [smem:$0x3FB3]  }
0x2b: {  	s6 =	sld [smem:$0x3FB4]  }
0x2c: {  	s7 =	sld [smem:$0x3FB5]  }
0x2d: {  	s3 =	simm.s32 $0x108;
	s8 =	sld [smem:$0x3FB6]  }
0x2e: {  	s3 =	simm.s32 @!p0 $0x1082;
	s9 =	sld [smem:$0x3FB7]  }
0x2f: {  	lr =	sadd.s32 s0, s3;
	s0 =	sld [smem:$0x3FAE]  }
0x30: {  	s3 =	sld [smem:$0x3FB1]  }
0x31: {  	[smem:$0x3FBA] =	sst s10  }
0x32: {  	s10 =	sld [smem:$0x3FB8];
	_ =	sdelay $0x3  }
0x33: {  	p0 =	seq.s32 s10, $0x1;
	s10 =	sld [smem:$0x3FBA];
	_ =	sdelay $0x3  }
0x34: {  	[smem:$0x3FBA] =	sst s10  }
0x35: {  	s10 =	sld [smem:$0x3FB9];
	_ =	sdelay $0x3  }
0x36: {  	p1 =	seq.s32 s10, $0x1;
	s10 =	sld [smem:$0x3FBA];
	_ =	sdelay $0x3  }
0x37: {  	[smem:$0x3FBA] =	sst s10  }
0x38: {  	s10 =	sld [smem:$0x3FBB]  }
0x39: {  	_ = 	snop;
	(pc) =	sbr.ind lr, $3  }
0x3a: {  	_ = 	snop  }
0x3b: {  	_ = 	snop  }
0x3c: {  	p2 =	seq.s32 s10, $0x1;
	s10 =	sld [smem:$0x3FBA]  }
0x3d: {  	_ =	shalt  }
0x3e: {  	_ =	shalt  }
0x3f: {  	_ =	shalt  }
0x40: {  	_ =	shalt  }
0x41: {  	_ =	shalt  }
0x42: {  	_ =	shalt  }
0x43: {  	_ =	shalt  }
0x44: {  	_ =	shalt  }
0x45: {  	_ =	shalt  }
0x46: {  	_ =	shalt  }
0x47: {  	_ =	shalt  }
0x48: {  	_ =	shalt  }
0x49: {  	_ =	shalt  }
0x4a: {  	_ =	shalt  }
0x4b: {  	_ =	shalt  }
0x4c: {  	_ =	shalt  }
0x4d: {  	_ =	shalt  }
0x4e: {  	_ =	shalt  }
0x4f: {  	_ =	shalt  }
0x50: {  	_ =	shalt  }
0x51: {  	_ =	shalt  }
0x52: {  	_ =	shalt  }
0x53: {  	_ =	shalt  }
0x54: {  	_ =	shalt  }
0x55: {  	_ =	shalt  }
0x56: {  	_ =	shalt  }
0x57: {  	_ =	shalt  }
0x58: {  	_ =	shalt  }
0x59: {  	_ =	shalt  }
0x5a: {  	_ =	shalt  }
0x5b: {  	_ =	shalt  }
0x5c: {  	_ =	shalt  }
0x5d: {  	_ =	shalt  }
0x5e: {  	_ =	shalt  }
0x5f: {  	_ =	shalt  }
0x60: {  	_ =	shalt  }
0x61: {  	_ =	shalt  }
0x62: {  	_ =	shalt  }
0x63: {  	_ =	shalt  }
0x64: {  	_ =	shalt  }
0x65: {  	_ =	shalt  }
0x66: {  	_ =	shalt  }
0x67: {  	_ =	shalt  }
0x68: {  	_ =	shalt  }
0x69: {  	_ =	shalt  }
0x6a: {  	_ =	shalt  }
0x6b: {  	_ =	shalt  }
0x6c: {  	_ =	shalt  }
0x6d: {  	_ =	shalt  }
0x6e: {  	_ =	shalt  }
0x6f: {  	_ =	shalt  }
0x70: {  	_ =	shalt  }
0x71: {  	_ =	shalt  }
0x72: {  	_ =	shalt  }
0x73: {  	_ =	shalt  }
0x74: {  	_ =	shalt  }
0x75: {  	_ =	shalt  }
0x76: {  	_ =	shalt  }
0x77: {  	_ =	shalt  }
0x78: {  	_ =	shalt  }
0x79: {  	_ =	shalt  }
0x7a: {  	_ =	shalt  }
0x7b: {  	_ =	shalt  }
0x7c: {  	_ =	shalt  }
0x7d: {  	_ =	shalt  }
0x7e: {  	_ =	shalt  }
0x7f: {  	_ =	shalt  }
0x80: {  	_ =	shalt  }
0x81: {  	_ =	shalt  }
0x82: {  	_ =	shalt  }
0x83: {  	_ =	shalt  }
0x84: {  	_ =	shalt  }
0x85: {  	_ =	shalt  }
0x86: {  	_ =	shalt  }
0x87: {  	_ =	shalt  }
.Lfunc_end0:
.L_simem_size_0:
called_computation_lowered:
.L_overlay_start_0:
0x88: {  	s2 =	sld [smem:$0x3FD9]  }
0x89: {  	s3 =	sld [smem:$0x3FFE];
	_ =	sdelay $0x1  }
0x8a: {  	s1 =	srdreg.scid  }
0x8b: {  	s0 =	sand.u32 $0x1, s1  }
0x8c: {  	s17 =	sshll.u32 s0, $0xA;
	s2 =	sadd.s32 s3, s2  }
0x8d: {  	s2 =	sadd.s32 s2, s17  }
0x8e: {  	[smem:$0x3FC6] =	sst s2  }
0x8f: {  	_ = 	snop  }
0x90: {  	s2 =	sld [smem:$0x3FC8]  }
0x91: {  	s18 =	sld [smem:$0x3FD0];
	(tm) =	ssettm $0x1  }
0x92: {  	s4 =	sld [smem:$0x3FFB];
	_ =	sdelay $0x3  }
0x93: {  	_ =	strace s4  }
0x94: {  	s4 =	sld [smem:$0x3FFC];
	_ =	sdelay $0x3  }
0x95: {  	_ =	strace s4  }
0x96: {  	s4 =	sld [smem:$0x3FFD];
	_ =	sdelay $0x3  }
0x97: {  	_ =	strace s4  }
0x98: {  	_ =	strace $0x8FFFFFFF  }
0x99: {  	s19 =	sld [smem:$0x3FDB];
	_ =	sdelay $0x1  }
0x9a: {  	s5 =	simm.s32 $_scs_section_size  }
0x9b: {  	s6 =	simm.s32 $_size__tile_overlayer_lowered;
	s7 =	simm.s32 $_tile_overlayer_lowered  }
0x9c: {  	s22 =	simm.s32 $0x1BFF;
	s21 =	sshll.u32 s7, $0x1;
	s4 =	sadd.s32 s5, s19  }
0x9d: {  	s8 =	simm.s32 $0x0;
	s20 =	sshll.u32 s6, $0x1;
	s6 =	sadd.s32 s21, s4  }
0x9e: {  	[timem:s8], [sflag:s22] =	dma.local [hbm:s6], s20  }
0x9f: {  	_ =	swait.ge [sflag:s22], s20  }
0xa0: {  	s5 =	ssub.s32 $0x0, s20;
	[sflag:s22] =	ssyncset.done $0x0  }
0xa1: {  	[sflag:s22] =	ssyncadd.s32 s5;
	_ =	sdelay $0x1  }
0xa2: {  	s23 =	simm.s32 $0x1B8B  }
0xa3: {  	_ =	swait.ge [sflag:s23], $0x1  }
0xa4: {  	[sflag:s23] =	ssyncset.done $0x0  }
0xa5: {  	s25 =	simm.s32 $0x1B8E;
	s24 =	sld [smem:$0x3FFE];
	[sflag:s23] =	ssyncadd.s32 $0xFFFFFFFF  }
0xa6: {  	s26 =	simm.s32 $execute0_lowered;
	[smem:$0x3FD2] =	sst s25  }
0xa7: {  	s6 =	sshll.u32 s26, $0x1;
	_ =	strace $0x80000046;
	[dreg:$0x1] =	wrdreg $0xFFFFFFFF  }
0xa8: {  	s28 =	simm.s32 $_size_execute0_lowered;
	s4 =	sadd.s32 s4, s6;
	[dreg:$0x0] =	wrdreg $0x0  }
0xa9: {  	s6 =	sshll.u32 s28, $0x1;
	[dreg:$0x2] =	wrdreg s4  }
0xaa: {  	[dreg:$0x3] =	wrdreg s6  }
0xab: {  	[dreg:$0x4] =	wrdreg $0xC0  }
0xac: {  	_ =	task [dreg:s8], $0x5FFFF  }
0xad: {  	[dreg:$0x1] =	wrdreg $0xFFFFFFFF  }
0xae: {  	[dreg:$0x0] =	wrdreg $0x60  }
0xaf: {  	[dreg:$0x2] =	wrdreg s24  }
0xb0: {  	[dreg:$0x3] =	wrdreg s2  }
0xb1: {  	[dreg:$0x4] =	wrdreg s18  }
0xb2: {  	[dreg:$0x5] =	wrdreg $0x9  }
0xb3: {  	_ =	task.clear_ibuf [dreg:s8], $0x6FFFF;
	_ =	strace $0x90000046  }
0xb4: {  	s29 =	simm.s32 $0x9;
	_ =	strace $0x80000048  }
0xb5: {  	_ =	swait.ge [sflag:s29], $0x1  }
0xb6: {  	[sflag:s29] =	ssyncadd.s32 $0xFFFFFFFF  }
0xb7: {  	_ =	strace $0x90000048  }
0xb8: {  	_ =	sfence  }
0xb9: {  	s30 =	sld [smem:$0x0];
	_ =	sdelay $0x2  }
0xba: {  	s31 =	sshll.u32 s1, $0xD;
	s1 =	sshrl.u32 s1, $0x2  }
0xbb: {  	s3 =	sand.u32 $0x4000, s31;
	s1 =	sadd.s32 s1, s30  }
0xbc: {  	s0 =	sor.u32 s3, s0;
	s1 =	sshll.u32 s1, $0x11  }
0xbd: {  	s0 =	sor.u32 s1, s0  }
0xbe: {  	s0 =	sadd.s32 $0x8F2B, s0  }
0xbf: {  	[sflag:s0] =	ssyncadd.remote.s32 $0x1  }
0xc0: {  	_ =	sfence.sel $0xFFFF  }
0xc1: {  	[dreg:$0x0] =	wrdreg $0xFFFFFFFF;
	(pc) =	sbr.abs _section_cstart, $3  }
0xc2: {  	[dreg:$0x1] =	wrdreg $0xFFFFFFFF  }
0xc3: {  	_ =	task.clear_ibuf [dreg:s8], $0x2FFFF;
	_ =	strace $0x9FFFFFFF  }
0xc4: {  	(tm) =	ssettm $0x7FFFFFFF  }
0xc5: {  	_ =	shalt  }
tec
execute0_lowered:
.L_overlay_start_1:
0x0: {  	(tag) =	ssettag $0x1  }
0x1: {  	s4 =	rddreg [dreg:$0x0]  }
0x2: {  	s0 =	srdreg.scid;
	s3 =	stileid.u32  }
0x3: {  	s2 =	rddreg [dreg:$0x1];
	s0 =	sand.u32 $0x1, s0;
	s5 =	sshll.u32 s3, $0x1  }
0x4: {  	s1 =	rddreg [dreg:$0x2];
	s3 =	simm.s32 $0x0;
	s5 =	sor.u32 s0, s5  }
0x5: {  	[smem:$0x7FF] =	sst s3;
	s29 =	smul.u32 $0x1900, s5  }
0x6: {  	s28 =	sadd.s32 $0x400, s4;
	_ =	strace $0x80000047;
	s5 =	smul.u32 $0x19000, s5  }
0x7: {  	s18 =	sshrl.u32 s29, $0x3;
	s6 =	sadd.s32 $0x1E0, s29;
	s20 =	sadd.s32 $0x3C0, s29  }
0x8: {  	s21 =	sadd.s32 s1, s5;
	s26 =	sadd.s32 $0x5A0, s29;
	s9 =	sadd.s32 $0x780, s29  }
0x9: {  	s4 =	sadd.s32 s28, s18;
	s7 =	sshrl.u32 s6, $0x3;
	[dreg:$0x6] =	wrdreg s21  }
0xa: {  	s22 =	sshrl.u32 s20, $0x3;
	[dreg:$0x4] =	wrdreg s4;
	s19 =	sadd.s32 s28, s7  }
0xb: {  	s24 =	sshll.u32 s6, $0x4;
	s23 =	sadd.s32 s28, s22;
	[dreg:$0x5] =	wrdreg s19  }
0xc: {  	s6 =	sshrl.u32 s26, $0x3;
	s25 =	sadd.s32 s1, s24;
	[dreg:$0x7] =	wrdreg s23  }
0xd: {  	s8 =	sshll.u32 s20, $0x4;
	s4 =	sadd.s32 s28, s6;
	[dreg:$0x8] =	wrdreg s25  }
0xe: {  	s11 =	sshrl.u32 s9, $0x3;
	s10 =	sadd.s32 s1, s8;
	[dreg:$0x9] =	wrdreg s4  }
0xf: {  	s5 =	sshll.u32 s26, $0x4;
	s12 =	sadd.s32 s28, s11;
	[dreg:$0xa] =	wrdreg s10  }
0x10: {  	s13 =	sadd.s32 s1, s5;
	[dreg:$0xb] =	wrdreg s12  }
0x11: {  	s14 =	sadd.s32 $0x960, s29;
	s16 =	sshll.u32 s9, $0x4;
	[dreg:$0xc] =	wrdreg s13  }
0x12: {  	s15 =	sshrl.u32 s14, $0x3;
	s18 =	sadd.s32 s1, s16;
	s17 =	rddreg [dreg:$0x4]  }
0x13: {  	s4 =	sadd.s32 s28, s15;
	[dreg:$0xe] =	wrdreg s18  }
0x14: {  	[dreg:$0xd] =	wrdreg s4;
	s4 =	simm.s32 $0x5  }
0x15: {  	[tilespmem:s3], [sflag:$0x5] =	stream.linear.gather [hbm4b:s17+s3], $0x1E0, $0x38;
	[tilespmem:$0x1E400] =	vst v63  }
0x16: {  	_ =	swait.ge [sflag:s4], $0x1E0  }
0x17: {  	[sflag:s4] =	ssyncset.done $0x0  }
0x18: {  	s5 =	simm.s32 $0x1E0;
	s6 =	simm.s32 $0x400;
	[sflag:s4] =	ssyncadd.s32 $0xFFFFFE20  }
0x19: {  	[tilespmem:s6], [sflag:$0x1] =	stream.indirect.gather [hbm4b:s2+s5], $0x80, s3, s5, $0xb8;
	[tilespmem:$0x1E400] =	vst v63  }
0x1a: {  	s7 =	simm.s32 $0x200;
	s8 =	rddreg [dreg:$0x5]  }
0x1b: {  	[tilespmem:s7], [sflag:$0x5] =	stream.linear.gather [hbm4b:s8+s3], $0x1E0, $0x38;
	[tilespmem:$0x1E400] =	vst v63  }
0x1c: {  	_ =	swait.ge [sflag:s4], $0x1E0  }
0x1d: {  	[sflag:s4] =	ssyncset.done $0x0  }
0x1e: {  	s9 =	simm.s32 $0x1;
	s8 =	simm.s32 $0xF400;
	[sflag:s4] =	ssyncadd.s32 $0xFFFFFE20  }
0x1f: {  	[tilespmem:s8], [sflag:$0x2] =	stream.indirect.gather [hbm4b:s2+s5], $0x80, s7, s5, $0xb8;
	[tilespmem:$0x1E400] =	vst v63  }
0x20: {  	_ =	swait.ge [sflag:s9], $0xF000  }
0x21: {  	[sflag:s9] =	ssyncset.done $0x0  }
0x22: {  	s10 =	simm.s32 $0x3;
	s11 =	rddreg [dreg:$0x6];
	[sflag:s9] =	ssyncadd.s32 $0xFFFF1000  }
0x23: {  	[hbm4b:s11+s3] =	stream.linear.scatter [tilespmem:s6], [sflag:$0x3], $0xF000, $0x38;
	[tilespmem:$0x1E400] =	vst v63  }
0x24: {  	_ =	swait.ge [sflag:s10], $0xF000  }
0x25: {  	[sflag:s10] =	ssyncset.done $0x0  }
0x26: {  	s19 =	rddreg [dreg:$0x7];
	[sflag:s10] =	ssyncadd.s32 $0xFFFF1000  }
0x27: {  	[tilespmem:s3], [sflag:$0x5] =	stream.linear.gather [hbm4b:s19+s3], $0x1E0, $0x38;
	[tilespmem:$0x1E400] =	vst v63  }
0x28: {  	_ =	swait.ge [sflag:s4], $0x1E0  }
0x29: {  	[sflag:s4] =	ssyncset.done $0x0  }
0x2a: {  	s11 =	simm.s32 $0x2;
	[sflag:s4] =	ssyncadd.s32 $0xFFFFFE20  }
0x2b: {  	[tilespmem:s6], [sflag:$0x1] =	stream.indirect.gather [hbm4b:s2+s5], $0x80, s3, s5, $0xb8;
	[tilespmem:$0x1E400] =	vst v63  }
0x2c: {  	_ =	swait.ge [sflag:s11], $0xF000  }
0x2d: {  	[sflag:s11] =	ssyncset.done $0x0  }
0x2e: {  	s12 =	simm.s32 $0x4;
	s13 =	rddreg [dreg:$0x8];
	[sflag:s11] =	ssyncadd.s32 $0xFFFF1000  }
0x2f: {  	[hbm4b:s13+s3] =	stream.linear.scatter [tilespmem:s8], [sflag:$0x4], $0xF000, $0x38;
	[tilespmem:$0x1E400] =	vst v63  }
0x30: {  	_ =	swait.ge [sflag:s12], $0xF000  }
0x31: {  	[sflag:s12] =	ssyncset.done $0x0  }
0x32: {  	s20 =	rddreg [dreg:$0x9];
	[sflag:s12] =	ssyncadd.s32 $0xFFFF1000  }
0x33: {  	[tilespmem:s7], [sflag:$0x5] =	stream.linear.gather [hbm4b:s20+s3], $0x1E0, $0x38;
	[tilespmem:$0x1E400] =	vst v63  }
0x34: {  	_ =	swait.ge [sflag:s4], $0x1E0  }
0x35: {  	[sflag:s4] =	ssyncset.done $0x0  }
0x36: {  	[sflag:s4] =	ssyncadd.s32 $0xFFFFFE20  }
0x37: {  	[tilespmem:s8], [sflag:$0x2] =	stream.indirect.gather [hbm4b:s2+s5], $0x80, s7, s5, $0xb8;
	[tilespmem:$0x1E400] =	vst v63  }
0x38: {  	_ =	swait.ge [sflag:s9], $0xF000  }
0x39: {  	[sflag:s9] =	ssyncset.done $0x0  }
0x3a: {  	s21 =	rddreg [dreg:$0xa];
	[sflag:s9] =	ssyncadd.s32 $0xFFFF1000  }
0x3b: {  	[hbm4b:s21+s3] =	stream.linear.scatter [tilespmem:s6], [sflag:$0x3], $0xF000, $0x38;
	[tilespmem:$0x1E400] =	vst v63  }
0x3c: {  	_ =	swait.ge [sflag:s10], $0xF000  }
0x3d: {  	[sflag:s10] =	ssyncset.done $0x0  }
0x3e: {  	s22 =	rddreg [dreg:$0xb];
	[sflag:s10] =	ssyncadd.s32 $0xFFFF1000  }
0x3f: {  	[tilespmem:s3], [sflag:$0x5] =	stream.linear.gather [hbm4b:s22+s3], $0x1E0, $0x38;
	[tilespmem:$0x1E400] =	vst v63  }
0x40: {  	_ =	swait.ge [sflag:s4], $0x1E0  }
0x41: {  	[sflag:s4] =	ssyncset.done $0x0  }
0x42: {  	[sflag:s4] =	ssyncadd.s32 $0xFFFFFE20  }
0x43: {  	[tilespmem:s6], [sflag:$0x1] =	stream.indirect.gather [hbm4b:s2+s5], $0x80, s3, s5, $0xb8;
	[tilespmem:$0x1E400] =	vst v63  }
0x44: {  	_ =	swait.ge [sflag:s11], $0xF000  }
0x45: {  	[sflag:s11] =	ssyncset.done $0x0  }
0x46: {  	s23 =	rddreg [dreg:$0xc];
	[sflag:s11] =	ssyncadd.s32 $0xFFFF1000  }
0x47: {  	[hbm4b:s23+s3] =	stream.linear.scatter [tilespmem:s8], [sflag:$0x4], $0xF000, $0x38;
	[tilespmem:$0x1E400] =	vst v63  }
0x48: {  	_ =	swait.ge [sflag:s12], $0xF000  }
0x49: {  	[sflag:s12] =	ssyncset.done $0x0  }
0x4a: {  	s24 =	rddreg [dreg:$0xd];
	[sflag:s12] =	ssyncadd.s32 $0xFFFF1000  }
0x4b: {  	[tilespmem:s7], [sflag:$0x5] =	stream.linear.gather [hbm4b:s24+s3], $0x1E0, $0x38;
	[tilespmem:$0x1E400] =	vst v63  }
0x4c: {  	_ =	swait.ge [sflag:s4], $0x1E0  }
0x4d: {  	[sflag:s4] =	ssyncset.done $0x0  }
0x4e: {  	[sflag:s4] =	ssyncadd.s32 $0xFFFFFE20  }
0x4f: {  	[tilespmem:s8], [sflag:$0x2] =	stream.indirect.gather [hbm4b:s2+s5], $0x80, s7, s5, $0xb8;
	[tilespmem:$0x1E400] =	vst v63  }
0x50: {  	_ =	swait.ge [sflag:s9], $0xF000  }
0x51: {  	[sflag:s9] =	ssyncset.done $0x0  }
0x52: {  	s25 =	rddreg [dreg:$0xe];
	[sflag:s9] =	ssyncadd.s32 $0xFFFF1000  }
0x53: {  	[hbm4b:s25+s3] =	stream.linear.scatter [tilespmem:s6], [sflag:$0x3], $0xF000, $0x38;
	[tilespmem:$0x1E400] =	vst v63  }
0x54: {  	s16 =	sadd.s32 $0xB40, s29;
	_ =	swait.ge [sflag:s10], $0xF000  }
0x55: {  	s26 =	sshrl.u32 s16, $0x3;
	[sflag:s10] =	ssyncset.done $0x0  }
0x56: {  	s13 =	sadd.s32 s28, s26;
	[sflag:s10] =	ssyncadd.s32 $0xFFFF1000  }
0x57: {  	[tilespmem:s3], [sflag:$0x5] =	stream.linear.gather [hbm4b:s13+s3], $0x1E0, $0x38;
	[tilespmem:$0x1E400] =	vst v63  }
0x58: {  	_ =	swait.ge [sflag:s4], $0x1E0  }
0x59: {  	[sflag:s4] =	ssyncset.done $0x0  }
0x5a: {  	[sflag:s4] =	ssyncadd.s32 $0xFFFFFE20  }
0x5b: {  	[tilespmem:s6], [sflag:$0x1] =	stream.indirect.gather [hbm4b:s2+s5], $0x80, s3, s5, $0xb8;
	[tilespmem:$0x1E400] =	vst v63  }
0x5c: {  	_ =	swait.ge [sflag:s11], $0xF000  }
0x5d: {  	s14 =	sshll.u32 s14, $0x4;
	[sflag:s11] =	ssyncset.done $0x0  }
0x5e: {  	s14 =	sadd.s32 s1, s14;
	[sflag:s11] =	ssyncadd.s32 $0xFFFF1000  }
0x5f: {  	[hbm4b:s14+s3] =	stream.linear.scatter [tilespmem:s8], [sflag:$0x4], $0xF000, $0x38;
	[tilespmem:$0x1E400] =	vst v63  }
0x60: {  	s18 =	sadd.s32 $0xD20, s29;
	_ =	swait.ge [sflag:s12], $0xF000  }
0x61: {  	s15 =	sshrl.u32 s18, $0x3;
	[sflag:s12] =	ssyncset.done $0x0  }
0x62: {  	s15 =	sadd.s32 s28, s15;
	[sflag:s12] =	ssyncadd.s32 $0xFFFF1000  }
0x63: {  	[tilespmem:s7], [sflag:$0x5] =	stream.linear.gather [hbm4b:s15+s3], $0x1E0, $0x38;
	[tilespmem:$0x1E400] =	vst v63  }
0x64: {  	_ =	swait.ge [sflag:s4], $0x1E0  }
0x65: {  	[sflag:s4] =	ssyncset.done $0x0  }
0x66: {  	[sflag:s4] =	ssyncadd.s32 $0xFFFFFE20  }
0x67: {  	[tilespmem:s8], [sflag:$0x2] =	stream.indirect.gather [hbm4b:s2+s5], $0x80, s7, s5, $0xb8;
	[tilespmem:$0x1E400] =	vst v63  }
0x68: {  	_ =	swait.ge [sflag:s9], $0xF000  }
0x69: {  	s16 =	sshll.u32 s16, $0x4;
	[sflag:s9] =	ssyncset.done $0x0  }
0x6a: {  	s16 =	sadd.s32 s1, s16;
	[sflag:s9] =	ssyncadd.s32 $0xFFFF1000  }
0x6b: {  	[hbm4b:s16+s3] =	stream.linear.scatter [tilespmem:s6], [sflag:$0x3], $0xF000, $0x38;
	[tilespmem:$0x1E400] =	vst v63  }
0x6c: {  	s20 =	sadd.s32 $0xF00, s29;
	_ =	swait.ge [sflag:s10], $0xF000  }
0x6d: {  	s17 =	sshrl.u32 s20, $0x3;
	[sflag:s10] =	ssyncset.done $0x0  }
0x6e: {  	s17 =	sadd.s32 s28, s17;
	[sflag:s10] =	ssyncadd.s32 $0xFFFF1000  }
0x6f: {  	[tilespmem:s3], [sflag:$0x5] =	stream.linear.gather [hbm4b:s17+s3], $0x1E0, $0x38;
	[tilespmem:$0x1E400] =	vst v63  }
0x70: {  	_ =	swait.ge [sflag:s4], $0x1E0  }
0x71: {  	[sflag:s4] =	ssyncset.done $0x0  }
0x72: {  	[sflag:s4] =	ssyncadd.s32 $0xFFFFFE20  }
0x73: {  	[tilespmem:s6], [sflag:$0x1] =	stream.indirect.gather [hbm4b:s2+s5], $0x80, s3, s5, $0xb8;
	[tilespmem:$0x1E400] =	vst v63  }
0x74: {  	_ =	swait.ge [sflag:s11], $0xF000  }
0x75: {  	s18 =	sshll.u32 s18, $0x4;
	[sflag:s11] =	ssyncset.done $0x0  }
0x76: {  	s18 =	sadd.s32 s1, s18;
	[sflag:s11] =	ssyncadd.s32 $0xFFFF1000  }
0x77: {  	[hbm4b:s18+s3] =	stream.linear.scatter [tilespmem:s8], [sflag:$0x4], $0xF000, $0x38;
	[tilespmem:$0x1E400] =	vst v63  }
0x78: {  	s22 =	sadd.s32 $0x10E0, s29;
	_ =	swait.ge [sflag:s12], $0xF000  }
0x79: {  	s19 =	sshrl.u32 s22, $0x3;
	[sflag:s12] =	ssyncset.done $0x0  }
0x7a: {  	s19 =	sadd.s32 s28, s19;
	[sflag:s12] =	ssyncadd.s32 $0xFFFF1000  }
0x7b: {  	[tilespmem:s7], [sflag:$0x5] =	stream.linear.gather [hbm4b:s19+s3], $0x1E0, $0x38;
	[tilespmem:$0x1E400] =	vst v63  }
0x7c: {  	_ =	swait.ge [sflag:s4], $0x1E0  }
0x7d: {  	[sflag:s4] =	ssyncset.done $0x0  }
0x7e: {  	[sflag:s4] =	ssyncadd.s32 $0xFFFFFE20  }
0x7f: {  	[tilespmem:s8], [sflag:$0x2] =	stream.indirect.gather [hbm4b:s2+s5], $0x80, s7, s5, $0xb8;
	[tilespmem:$0x1E400] =	vst v63  }
0x80: {  	_ =	swait.ge [sflag:s9], $0xF000  }
0x81: {  	s20 =	sshll.u32 s20, $0x4;
	[sflag:s9] =	ssyncset.done $0x0  }
0x82: {  	s20 =	sadd.s32 s1, s20;
	[sflag:s9] =	ssyncadd.s32 $0xFFFF1000  }
0x83: {  	[hbm4b:s20+s3] =	stream.linear.scatter [tilespmem:s6], [sflag:$0x3], $0xF000, $0x38;
	[tilespmem:$0x1E400] =	vst v63  }
0x84: {  	s24 =	sadd.s32 $0x12C0, s29;
	_ =	swait.ge [sflag:s10], $0xF000  }
0x85: {  	s21 =	sshrl.u32 s24, $0x3;
	[sflag:s10] =	ssyncset.done $0x0  }
0x86: {  	s21 =	sadd.s32 s28, s21;
	[sflag:s10] =	ssyncadd.s32 $0xFFFF1000  }
0x87: {  	[tilespmem:s3], [sflag:$0x5] =	stream.linear.gather [hbm4b:s21+s3], $0x1E0, $0x38;
	[tilespmem:$0x1E400] =	vst v63  }
0x88: {  	_ =	swait.ge [sflag:s4], $0x1E0  }
0x89: {  	[sflag:s4] =	ssyncset.done $0x0  }
0x8a: {  	[sflag:s4] =	ssyncadd.s32 $0xFFFFFE20  }
0x8b: {  	[tilespmem:s6], [sflag:$0x1] =	stream.indirect.gather [hbm4b:s2+s5], $0x80, s3, s5, $0xb8;
	[tilespmem:$0x1E400] =	vst v63  }
0x8c: {  	_ =	swait.ge [sflag:s11], $0xF000  }
0x8d: {  	s22 =	sshll.u32 s22, $0x4;
	[sflag:s11] =	ssyncset.done $0x0  }
0x8e: {  	s22 =	sadd.s32 s1, s22;
	[sflag:s11] =	ssyncadd.s32 $0xFFFF1000  }
0x8f: {  	[hbm4b:s22+s3] =	stream.linear.scatter [tilespmem:s8], [sflag:$0x4], $0xF000, $0x38;
	[tilespmem:$0x1E400] =	vst v63  }
0x90: {  	s26 =	sadd.s32 $0x14A0, s29;
	_ =	swait.ge [sflag:s12], $0xF000  }
0x91: {  	s23 =	sshrl.u32 s26, $0x3;
	[sflag:s12] =	ssyncset.done $0x0  }
0x92: {  	s23 =	sadd.s32 s28, s23;
	[sflag:s12] =	ssyncadd.s32 $0xFFFF1000  }
0x93: {  	[tilespmem:s7], [sflag:$0x5] =	stream.linear.gather [hbm4b:s23+s3], $0x1E0, $0x38;
	[tilespmem:$0x1E400] =	vst v63  }
0x94: {  	_ =	swait.ge [sflag:s4], $0x1E0  }
0x95: {  	[sflag:s4] =	ssyncset.done $0x0  }
0x96: {  	[sflag:s4] =	ssyncadd.s32 $0xFFFFFE20  }
0x97: {  	[tilespmem:s8], [sflag:$0x2] =	stream.indirect.gather [hbm4b:s2+s5], $0x80, s7, s5, $0xb8;
	[tilespmem:$0x1E400] =	vst v63  }
0x98: {  	_ =	swait.ge [sflag:s9], $0xF000  }
0x99: {  	s24 =	sshll.u32 s24, $0x4;
	[sflag:s9] =	ssyncset.done $0x0  }
0x9a: {  	s24 =	sadd.s32 s1, s24;
	[sflag:s9] =	ssyncadd.s32 $0xFFFF1000  }
0x9b: {  	[hbm4b:s24+s3] =	stream.linear.scatter [tilespmem:s6], [sflag:$0x3], $0xF000, $0x38;
	[tilespmem:$0x1E400] =	vst v63  }
0x9c: {  	s30 =	sadd.s32 $0x1680, s29;
	_ =	swait.ge [sflag:s10], $0xF000  }
0x9d: {  	s25 =	sshrl.u32 s30, $0x3;
	[sflag:s10] =	ssyncset.done $0x0  }
0x9e: {  	s25 =	sadd.s32 s28, s25;
	[sflag:s10] =	ssyncadd.s32 $0xFFFF1000  }
0x9f: {  	[tilespmem:s3], [sflag:$0x5] =	stream.linear.gather [hbm4b:s25+s3], $0x1E0, $0x38;
	[tilespmem:$0x1E400] =	vst v63  }
0xa0: {  	_ =	swait.ge [sflag:s4], $0x1E0  }
0xa1: {  	[sflag:s4] =	ssyncset.done $0x0  }
0xa2: {  	[sflag:s4] =	ssyncadd.s32 $0xFFFFFE20  }
0xa3: {  	[tilespmem:s6], [sflag:$0x1] =	stream.indirect.gather [hbm4b:s2+s5], $0x80, s3, s5, $0xb8;
	[tilespmem:$0x1E400] =	vst v63  }
0xa4: {  	_ =	swait.ge [sflag:s11], $0xF000  }
0xa5: {  	s26 =	sshll.u32 s26, $0x4;
	[sflag:s11] =	ssyncset.done $0x0  }
0xa6: {  	s26 =	sadd.s32 s1, s26;
	[sflag:s11] =	ssyncadd.s32 $0xFFFF1000  }
0xa7: {  	[hbm4b:s26+s3] =	stream.linear.scatter [tilespmem:s8], [sflag:$0x4], $0xF000, $0x38;
	[tilespmem:$0x1E400] =	vst v63  }
0xa8: {  	s31 =	sadd.s32 $0x1860, s29;
	_ =	swait.ge [sflag:s12], $0xF000  }
0xa9: {  	s29 =	sshrl.u32 s31, $0x3;
	[sflag:s12] =	ssyncset.done $0x0  }
0xaa: {  	s28 =	sadd.s32 s28, s29;
	[sflag:s12] =	ssyncadd.s32 $0xFFFF1000  }
0xab: {  	[tilespmem:s7], [sflag:$0x5] =	stream.linear.gather [hbm4b:s28+s3], $0xA0, $0x38;
	[tilespmem:$0x1E400] =	vst v63  }
0xac: {  	_ =	swait.ge [sflag:s4], $0xA0  }
0xad: {  	[sflag:s4] =	ssyncset.done $0x0  }
0xae: {  	s29 =	simm.s32 $0xA0;
	[sflag:s4] =	ssyncadd.s32 $0xFFFFFF60  }
0xaf: {  	[tilespmem:s8], [sflag:$0x2] =	stream.indirect.gather [hbm4b:s2+s29], $0x80, s7, s29, $0xb8;
	[tilespmem:$0x1E400] =	vst v63  }
0xb0: {  	s0 =	ssub.s32 $0x2, s0;
	s31 =	sshll.u32 s31, $0x4;
	_ =	swait.ge [sflag:s9], $0xF000  }
0xb1: {  	s31 =	sadd.s32 s1, s31;
	s30 =	sshll.u32 s30, $0x4;
	[sflag:s9] =	ssyncset.done $0x0  }
0xb2: {  	s30 =	sadd.s32 s1, s30;
	s1 =	sshrl.u32 s0, $0x1;
	[sflag:s9] =	ssyncadd.s32 $0xFFFF1000  }
0xb3: {  	[hbm4b:s30+s3] =	stream.linear.scatter [tilespmem:s6], [sflag:$0x3], $0xF000, $0x38;
	[tilespmem:$0x1E400] =	vst v63  }
0xb4: {  	s0 =	ssub.s32 s0, s1;
	_ =	swait.ge [sflag:s11], $0x5000  }
0xb5: {  	s0 =	smax.u32 s0, $0x1;
	[sflag:s11] =	ssyncset.done $0x0  }
0xb6: {  	p0 =	sne.s32 s0, $0x1;
	[sflag:s11] =	ssyncadd.s32 $0xFFFFB000  }
0xb7: {  	[hbm4b:s31+s3] =	stream.linear.scatter [tilespmem:s8], [sflag:$0x4], $0x5000, $0x38;
	[tilespmem:$0x1E400] =	vst v63  }
.Ltmp0:
0xb8: {  	_ =	swait.ge [sflag:s10], $0xF000;
	(pc) =	sbr.rel @!p0 .LBB2_2-.Ltmp0, $4  }
0xb9: {  	[sflag:s10] =	ssyncset.done $0x0  }
0xba: {  	[sflag:s10] =	ssyncadd.s32 $0xFFFF1000  }
0xbb: {  	_ =	swait.ge [sflag:s12], $0x5000  }
0xbc: {  	s1 =	sadd.s32 $0xFFFFFFFF, s0;
	[sflag:s12] =	ssyncset.done $0x0  }
.LBB2_1:
0xbd: {  	s0 =	rddreg [dreg:$0x4];
	[sflag:s12] =	ssyncadd.s32 $0xFFFFB000  }
0xbe: {  	[tilespmem:s3], [sflag:$0x5] =	stream.linear.gather [hbm4b:s0+s3], $0x1E0, $0x38;
	[tilespmem:$0x1E400] =	vst v63  }
0xbf: {  	_ =	swait.ge [sflag:s4], $0x1E0  }
0xc0: {  	[sflag:s4] =	ssyncset.done $0x0  }
0xc1: {  	[sflag:s4] =	ssyncadd.s32 $0xFFFFFE20  }
0xc2: {  	[tilespmem:s6], [sflag:$0x1] =	stream.indirect.gather [hbm4b:s2+s5], $0x80, s3, s5, $0xb8;
	[tilespmem:$0x1E400] =	vst v63  }
0xc3: {  	s0 =	rddreg [dreg:$0x5]  }
0xc4: {  	[tilespmem:s7], [sflag:$0x5] =	stream.linear.gather [hbm4b:s0+s3], $0x1E0, $0x38;
	[tilespmem:$0x1E400] =	vst v63  }
0xc5: {  	_ =	swait.ge [sflag:s4], $0x1E0  }
0xc6: {  	[sflag:s4] =	ssyncset.done $0x0  }
0xc7: {  	[sflag:s4] =	ssyncadd.s32 $0xFFFFFE20  }
0xc8: {  	[tilespmem:s8], [sflag:$0x2] =	stream.indirect.gather [hbm4b:s2+s5], $0x80, s7, s5, $0xb8;
	[tilespmem:$0x1E400] =	vst v63  }
0xc9: {  	_ =	swait.ge [sflag:s9], $0xF000  }
0xca: {  	[sflag:s9] =	ssyncset.done $0x0  }
0xcb: {  	s0 =	rddreg [dreg:$0x6];
	[sflag:s9] =	ssyncadd.s32 $0xFFFF1000  }
0xcc: {  	[hbm4b:s0+s3] =	stream.linear.scatter [tilespmem:s6], [sflag:$0x3], $0xF000, $0x38;
	[tilespmem:$0x1E400] =	vst v63  }
0xcd: {  	_ =	swait.ge [sflag:s10], $0xF000  }
0xce: {  	[sflag:s10] =	ssyncset.done $0x0  }
0xcf: {  	s0 =	rddreg [dreg:$0x7];
	[sflag:s10] =	ssyncadd.s32 $0xFFFF1000  }
0xd0: {  	[tilespmem:s3], [sflag:$0x5] =	stream.linear.gather [hbm4b:s0+s3], $0x1E0, $0x38;
	[tilespmem:$0x1E400] =	vst v63  }
0xd1: {  	_ =	swait.ge [sflag:s4], $0x1E0  }
0xd2: {  	[sflag:s4] =	ssyncset.done $0x0  }
0xd3: {  	[sflag:s4] =	ssyncadd.s32 $0xFFFFFE20  }
0xd4: {  	[tilespmem:s6], [sflag:$0x1] =	stream.indirect.gather [hbm4b:s2+s5], $0x80, s3, s5, $0xb8;
	[tilespmem:$0x1E400] =	vst v63  }
0xd5: {  	_ =	swait.ge [sflag:s11], $0xF000  }
0xd6: {  	[sflag:s11] =	ssyncset.done $0x0  }
0xd7: {  	s0 =	rddreg [dreg:$0x8];
	[sflag:s11] =	ssyncadd.s32 $0xFFFF1000  }
0xd8: {  	[hbm4b:s0+s3] =	stream.linear.scatter [tilespmem:s8], [sflag:$0x4], $0xF000, $0x38;
	[tilespmem:$0x1E400] =	vst v63  }
0xd9: {  	_ =	swait.ge [sflag:s12], $0xF000  }
0xda: {  	[sflag:s12] =	ssyncset.done $0x0  }
0xdb: {  	s0 =	rddreg [dreg:$0x9];
	[sflag:s12] =	ssyncadd.s32 $0xFFFF1000  }
0xdc: {  	[tilespmem:s7], [sflag:$0x5] =	stream.linear.gather [hbm4b:s0+s3], $0x1E0, $0x38;
	[tilespmem:$0x1E400] =	vst v63  }
0xdd: {  	_ =	swait.ge [sflag:s4], $0x1E0  }
0xde: {  	[sflag:s4] =	ssyncset.done $0x0  }
0xdf: {  	[sflag:s4] =	ssyncadd.s32 $0xFFFFFE20  }
0xe0: {  	[tilespmem:s8], [sflag:$0x2] =	stream.indirect.gather [hbm4b:s2+s5], $0x80, s7, s5, $0xb8;
	[tilespmem:$0x1E400] =	vst v63  }
0xe1: {  	_ =	swait.ge [sflag:s9], $0xF000  }
0xe2: {  	[sflag:s9] =	ssyncset.done $0x0  }
0xe3: {  	s0 =	rddreg [dreg:$0xa];
	[sflag:s9] =	ssyncadd.s32 $0xFFFF1000  }
0xe4: {  	[hbm4b:s0+s3] =	stream.linear.scatter [tilespmem:s6], [sflag:$0x3], $0xF000, $0x38;
	[tilespmem:$0x1E400] =	vst v63  }
0xe5: {  	_ =	swait.ge [sflag:s10], $0xF000  }
0xe6: {  	[sflag:s10] =	ssyncset.done $0x0  }
0xe7: {  	s0 =	rddreg [dreg:$0xb];
	[sflag:s10] =	ssyncadd.s32 $0xFFFF1000  }
0xe8: {  	[tilespmem:s3], [sflag:$0x5] =	stream.linear.gather [hbm4b:s0+s3], $0x1E0, $0x38;
	[tilespmem:$0x1E400] =	vst v63  }
0xe9: {  	_ =	swait.ge [sflag:s4], $0x1E0  }
0xea: {  	[sflag:s4] =	ssyncset.done $0x0  }
0xeb: {  	[sflag:s4] =	ssyncadd.s32 $0xFFFFFE20  }
0xec: {  	[tilespmem:s6], [sflag:$0x1] =	stream.indirect.gather [hbm4b:s2+s5], $0x80, s3, s5, $0xb8;
	[tilespmem:$0x1E400] =	vst v63  }
0xed: {  	_ =	swait.ge [sflag:s11], $0xF000  }
0xee: {  	[sflag:s11] =	ssyncset.done $0x0  }
0xef: {  	s0 =	rddreg [dreg:$0xc];
	[sflag:s11] =	ssyncadd.s32 $0xFFFF1000  }
0xf0: {  	[hbm4b:s0+s3] =	stream.linear.scatter [tilespmem:s8], [sflag:$0x4], $0xF000, $0x38;
	[tilespmem:$0x1E400] =	vst v63  }
0xf1: {  	_ =	swait.ge [sflag:s12], $0xF000  }
0xf2: {  	[sflag:s12] =	ssyncset.done $0x0  }
0xf3: {  	s0 =	rddreg [dreg:$0xd];
	[sflag:s12] =	ssyncadd.s32 $0xFFFF1000  }
0xf4: {  	[tilespmem:s7], [sflag:$0x5] =	stream.linear.gather [hbm4b:s0+s3], $0x1E0, $0x38;
	[tilespmem:$0x1E400] =	vst v63  }
0xf5: {  	_ =	swait.ge [sflag:s4], $0x1E0  }
0xf6: {  	[sflag:s4] =	ssyncset.done $0x0  }
0xf7: {  	[sflag:s4] =	ssyncadd.s32 $0xFFFFFE20  }
0xf8: {  	[tilespmem:s8], [sflag:$0x2] =	stream.indirect.gather [hbm4b:s2+s5], $0x80, s7, s5, $0xb8;
	[tilespmem:$0x1E400] =	vst v63  }
0xf9: {  	_ =	swait.ge [sflag:s9], $0xF000  }
0xfa: {  	[sflag:s9] =	ssyncset.done $0x0  }
0xfb: {  	s0 =	rddreg [dreg:$0xe];
	[sflag:s9] =	ssyncadd.s32 $0xFFFF1000  }
0xfc: {  	[hbm4b:s0+s3] =	stream.linear.scatter [tilespmem:s6], [sflag:$0x3], $0xF000, $0x38;
	[tilespmem:$0x1E400] =	vst v63  }
0xfd: {  	_ =	swait.ge [sflag:s10], $0xF000  }
0xfe: {  	[sflag:s10] =	ssyncset.done $0x0  }
0xff: {  	[sflag:s10] =	ssyncadd.s32 $0xFFFF1000  }
0x100: {  	[tilespmem:s3], [sflag:$0x5] =	stream.linear.gather [hbm4b:s13+s3], $0x1E0, $0x38;
	[tilespmem:$0x1E400] =	vst v63  }
0x101: {  	_ =	swait.ge [sflag:s4], $0x1E0  }
0x102: {  	[sflag:s4] =	ssyncset.done $0x0  }
0x103: {  	[sflag:s4] =	ssyncadd.s32 $0xFFFFFE20  }
0x104: {  	[tilespmem:s6], [sflag:$0x1] =	stream.indirect.gather [hbm4b:s2+s5], $0x80, s3, s5, $0xb8;
	[tilespmem:$0x1E400] =	vst v63  }
0x105: {  	_ =	swait.ge [sflag:s11], $0xF000  }
0x106: {  	[sflag:s11] =	ssyncset.done $0x0  }
0x107: {  	[sflag:s11] =	ssyncadd.s32 $0xFFFF1000  }
0x108: {  	[hbm4b:s14+s3] =	stream.linear.scatter [tilespmem:s8], [sflag:$0x4], $0xF000, $0x38;
	[tilespmem:$0x1E400] =	vst v63  }
0x109: {  	_ =	swait.ge [sflag:s12], $0xF000  }
0x10a: {  	[sflag:s12] =	ssyncset.done $0x0  }
0x10b: {  	[sflag:s12] =	ssyncadd.s32 $0xFFFF1000  }
0x10c: {  	[tilespmem:s7], [sflag:$0x5] =	stream.linear.gather [hbm4b:s15+s3], $0x1E0, $0x38;
	[tilespmem:$0x1E400] =	vst v63  }
0x10d: {  	_ =	swait.ge [sflag:s4], $0x1E0  }
0x10e: {  	[sflag:s4] =	ssyncset.done $0x0  }
0x10f: {  	[sflag:s4] =	ssyncadd.s32 $0xFFFFFE20  }
0x110: {  	[tilespmem:s8], [sflag:$0x2] =	stream.indirect.gather [hbm4b:s2+s5], $0x80, s7, s5, $0xb8;
	[tilespmem:$0x1E400] =	vst v63  }
0x111: {  	_ =	swait.ge [sflag:s9], $0xF000  }
0x112: {  	[sflag:s9] =	ssyncset.done $0x0  }
0x113: {  	[sflag:s9] =	ssyncadd.s32 $0xFFFF1000  }
0x114: {  	[hbm4b:s16+s3] =	stream.linear.scatter [tilespmem:s6], [sflag:$0x3], $0xF000, $0x38;
	[tilespmem:$0x1E400] =	vst v63  }
0x115: {  	_ =	swait.ge [sflag:s10], $0xF000  }
0x116: {  	[sflag:s10] =	ssyncset.done $0x0  }
0x117: {  	[sflag:s10] =	ssyncadd.s32 $0xFFFF1000  }
0x118: {  	[tilespmem:s3], [sflag:$0x5] =	stream.linear.gather [hbm4b:s17+s3], $0x1E0, $0x38;
	[tilespmem:$0x1E400] =	vst v63  }
0x119: {  	_ =	swait.ge [sflag:s4], $0x1E0  }
0x11a: {  	[sflag:s4] =	ssyncset.done $0x0  }
0x11b: {  	[sflag:s4] =	ssyncadd.s32 $0xFFFFFE20  }
0x11c: {  	[tilespmem:s6], [sflag:$0x1] =	stream.indirect.gather [hbm4b:s2+s5], $0x80, s3, s5, $0xb8;
	[tilespmem:$0x1E400] =	vst v63  }
0x11d: {  	_ =	swait.ge [sflag:s11], $0xF000  }
0x11e: {  	[sflag:s11] =	ssyncset.done $0x0  }
0x11f: {  	[sflag:s11] =	ssyncadd.s32 $0xFFFF1000  }
0x120: {  	[hbm4b:s18+s3] =	stream.linear.scatter [tilespmem:s8], [sflag:$0x4], $0xF000, $0x38;
	[tilespmem:$0x1E400] =	vst v63  }
0x121: {  	_ =	swait.ge [sflag:s12], $0xF000  }
0x122: {  	[sflag:s12] =	ssyncset.done $0x0  }
0x123: {  	[sflag:s12] =	ssyncadd.s32 $0xFFFF1000  }
0x124: {  	[tilespmem:s7], [sflag:$0x5] =	stream.linear.gather [hbm4b:s19+s3], $0x1E0, $0x38;
	[tilespmem:$0x1E400] =	vst v63  }
0x125: {  	_ =	swait.ge [sflag:s4], $0x1E0  }
0x126: {  	[sflag:s4] =	ssyncset.done $0x0  }
0x127: {  	[sflag:s4] =	ssyncadd.s32 $0xFFFFFE20  }
0x128: {  	[tilespmem:s8], [sflag:$0x2] =	stream.indirect.gather [hbm4b:s2+s5], $0x80, s7, s5, $0xb8;
	[tilespmem:$0x1E400] =	vst v63  }
0x129: {  	_ =	swait.ge [sflag:s9], $0xF000  }
0x12a: {  	[sflag:s9] =	ssyncset.done $0x0  }
0x12b: {  	[sflag:s9] =	ssyncadd.s32 $0xFFFF1000  }
0x12c: {  	[hbm4b:s20+s3] =	stream.linear.scatter [tilespmem:s6], [sflag:$0x3], $0xF000, $0x38;
	[tilespmem:$0x1E400] =	vst v63  }
0x12d: {  	_ =	swait.ge [sflag:s10], $0xF000  }
0x12e: {  	[sflag:s10] =	ssyncset.done $0x0  }
0x12f: {  	[sflag:s10] =	ssyncadd.s32 $0xFFFF1000  }
0x130: {  	[tilespmem:s3], [sflag:$0x5] =	stream.linear.gather [hbm4b:s21+s3], $0x1E0, $0x38;
	[tilespmem:$0x1E400] =	vst v63  }
0x131: {  	_ =	swait.ge [sflag:s4], $0x1E0  }
0x132: {  	[sflag:s4] =	ssyncset.done $0x0  }
0x133: {  	[sflag:s4] =	ssyncadd.s32 $0xFFFFFE20  }
0x134: {  	[tilespmem:s6], [sflag:$0x1] =	stream.indirect.gather [hbm4b:s2+s5], $0x80, s3, s5, $0xb8;
	[tilespmem:$0x1E400] =	vst v63  }
0x135: {  	_ =	swait.ge [sflag:s11], $0xF000  }
0x136: {  	[sflag:s11] =	ssyncset.done $0x0  }
0x137: {  	[sflag:s11] =	ssyncadd.s32 $0xFFFF1000  }
0x138: {  	[hbm4b:s22+s3] =	stream.linear.scatter [tilespmem:s8], [sflag:$0x4], $0xF000, $0x38;
	[tilespmem:$0x1E400] =	vst v63  }
0x139: {  	_ =	swait.ge [sflag:s12], $0xF000  }
0x13a: {  	[sflag:s12] =	ssyncset.done $0x0  }
0x13b: {  	[sflag:s12] =	ssyncadd.s32 $0xFFFF1000  }
0x13c: {  	[tilespmem:s7], [sflag:$0x5] =	stream.linear.gather [hbm4b:s23+s3], $0x1E0, $0x38;
	[tilespmem:$0x1E400] =	vst v63  }
0x13d: {  	_ =	swait.ge [sflag:s4], $0x1E0  }
0x13e: {  	[sflag:s4] =	ssyncset.done $0x0  }
0x13f: {  	[sflag:s4] =	ssyncadd.s32 $0xFFFFFE20  }
0x140: {  	[tilespmem:s8], [sflag:$0x2] =	stream.indirect.gather [hbm4b:s2+s5], $0x80, s7, s5, $0xb8;
	[tilespmem:$0x1E400] =	vst v63  }
0x141: {  	_ =	swait.ge [sflag:s9], $0xF000  }
0x142: {  	[sflag:s9] =	ssyncset.done $0x0  }
0x143: {  	[sflag:s9] =	ssyncadd.s32 $0xFFFF1000  }
0x144: {  	[hbm4b:s24+s3] =	stream.linear.scatter [tilespmem:s6], [sflag:$0x3], $0xF000, $0x38;
	[tilespmem:$0x1E400] =	vst v63  }
0x145: {  	_ =	swait.ge [sflag:s10], $0xF000  }
0x146: {  	[sflag:s10] =	ssyncset.done $0x0  }
0x147: {  	[sflag:s10] =	ssyncadd.s32 $0xFFFF1000  }
0x148: {  	[tilespmem:s3], [sflag:$0x5] =	stream.linear.gather [hbm4b:s25+s3], $0x1E0, $0x38;
	[tilespmem:$0x1E400] =	vst v63  }
0x149: {  	_ =	swait.ge [sflag:s4], $0x1E0  }
0x14a: {  	[sflag:s4] =	ssyncset.done $0x0  }
0x14b: {  	[sflag:s4] =	ssyncadd.s32 $0xFFFFFE20  }
0x14c: {  	[tilespmem:s6], [sflag:$0x1] =	stream.indirect.gather [hbm4b:s2+s5], $0x80, s3, s5, $0xb8;
	[tilespmem:$0x1E400] =	vst v63  }
0x14d: {  	_ =	swait.ge [sflag:s11], $0xF000  }
0x14e: {  	[sflag:s11] =	ssyncset.done $0x0  }
0x14f: {  	[sflag:s11] =	ssyncadd.s32 $0xFFFF1000  }
0x150: {  	[hbm4b:s26+s3] =	stream.linear.scatter [tilespmem:s8], [sflag:$0x4], $0xF000, $0x38;
	[tilespmem:$0x1E400] =	vst v63  }
0x151: {  	_ =	swait.ge [sflag:s12], $0xF000  }
0x152: {  	[sflag:s12] =	ssyncset.done $0x0  }
0x153: {  	[sflag:s12] =	ssyncadd.s32 $0xFFFF1000  }
0x154: {  	[tilespmem:s7], [sflag:$0x5] =	stream.linear.gather [hbm4b:s28+s3], $0xA0, $0x38;
	[tilespmem:$0x1E400] =	vst v63  }
0x155: {  	_ =	swait.ge [sflag:s4], $0xA0  }
0x156: {  	[sflag:s4] =	ssyncset.done $0x0  }
0x157: {  	[sflag:s4] =	ssyncadd.s32 $0xFFFFFF60  }
0x158: {  	[tilespmem:s8], [sflag:$0x2] =	stream.indirect.gather [hbm4b:s2+s29], $0x80, s7, s29, $0xb8;
	[tilespmem:$0x1E400] =	vst v63  }
0x159: {  	_ =	swait.ge [sflag:s9], $0xF000  }
0x15a: {  	[sflag:s9] =	ssyncset.done $0x0  }
0x15b: {  	[sflag:s9] =	ssyncadd.s32 $0xFFFF1000  }
0x15c: {  	[hbm4b:s30+s3] =	stream.linear.scatter [tilespmem:s6], [sflag:$0x3], $0xF000, $0x38;
	[tilespmem:$0x1E400] =	vst v63  }
0x15d: {  	_ =	swait.ge [sflag:s11], $0x5000  }
0x15e: {  	[sflag:s11] =	ssyncset.done $0x0  }
0x15f: {  	p0 =	sne.s32 s1, $0x1;
	[sflag:s11] =	ssyncadd.s32 $0xFFFFB000  }
0x160: {  	[hbm4b:s31+s3] =	stream.linear.scatter [tilespmem:s8], [sflag:$0x4], $0x5000, $0x38;
	[tilespmem:$0x1E400] =	vst v63  }
.Ltmp1:
0x161: {  	_ =	swait.ge [sflag:s10], $0xF000;
	(pc) =	sbr.rel @p0 .LBB2_1-.Ltmp1, $4  }
0x162: {  	[sflag:s10] =	ssyncset.done $0x0  }
0x163: {  	[sflag:s10] =	ssyncadd.s32 $0xFFFF1000  }
0x164: {  	_ =	swait.ge [sflag:s12], $0x5000  }
0x165: {  	s1 =	sadd.s32 $0xFFFFFFFF, s1;
	[sflag:s12] =	ssyncset.done $0x0  }
.LBB2_2:
0x166: {  	[sflag:s12] =	ssyncadd.s32 $0xFFFFB000  }
0x167: {  	_ =	sfence.sel $0x180000  }
0x168: {  	[bflag:$0x0] =	sbarrier.arrive $0xFFFF  }
0x169: {  	_ =	strace $0x90000047  }
0x16a: {  	s0 =	stileid.u32;
	[bflag:$0x2] =	sbarrier.arrive $0xFFFF  }
0x16b: {  	p0 =	sne.s32 s0, $0x0;
	s0 =	rddreg [dreg:$0x3]  }
0x16c: {  	s0 =	sadd.s32 @!p0 $0x100000, s0  }
0x16d: {  	[sflag:s0] =	ssyncadd.tile.s32 @!p0 $0x1;
	_ =	shalt  }
.Lfunc_end2:
_tile_overlayer_lowered:
.L_overlay_start_2:
0x16e: {  	(tag) =	ssettag $0x2  }
0x16f: {  	s0 =	rddreg [dreg:$0x0];
	s2 =	stileid.u32  }
0x170: {  	s1 =	rddreg [dreg:$0x1];
	p0 =	sne.s32 s2, $0x0  }
0x171: {  	s3 =	rddreg [dreg:$0x2];
	[bflag:$0x3] =	sbarrier.arrive $0xFFFF;
	s2 =	simm.s32 @!p0 $0x1C05  }
0x172: {  	[timem:s3], [sflag:s2] =	dma.local @!p0 [hbm:s0], s1  }
0x173: {  	s0 =	simm.s32 @!p0 $0x5  }
0x174: {  	_ =	swait.ge @!p0 [sflag:s0], s1  }
0x175: {  	s1 =	ssub.s32 @!p0 $0x0, s1;
	[sflag:s0] =	ssyncset.done @!p0 $0x0  }
0x176: {  	[sflag:s0] =	ssyncadd.s32 @!p0 s1  }
0x177: {  	[bflag:$0x3] =	sbarrier.arrive $0xFFFF  }
0x178: {  	_ =	shalt  }

</sc_bundles>
